<compile_context>
chip_gen: v7x
topology: tpu7x:2x2x1
jax: 0.10.2.dev20260603
libtpu: 0.0.44.dev20260713+nightly
codegen_flags: <defaults>
</compile_context>

<pallas_src>
import functools

import jax
import jax.numpy as jnp
from jax import lax
from jax.experimental import pallas as pl
from jax.experimental.pallas import tpu as pltpu
from jax.experimental.pallas import tpu_sc as plsc

_E = 160000
_N = 10000
_CH = 16
_BDMAX = 14
_ROW = 2 * _CH * _BDMAX

_NW = 32
_EPW = 4992
_TAILW = (_E - _NW * _EPW) // 128
_TAIL0 = _NW * _EPW
_BUF = _EPW + 128

_mesh = plsc.VectorSubcoreMesh(core_axis_name="c", subcore_axis_name="s")


@functools.partial(
    pl.kernel,
    out_type=(jax.ShapeDtypeStruct((1, _E), jnp.int32),
              jax.ShapeDtypeStruct((2, _E), jnp.int32)),
    mesh=_mesh,
    compiler_params=pltpu.CompilerParams(needs_layout_passes=False),
    scratch_types=[
        pltpu.VMEM((2, _BUF), jnp.int32),
        pltpu.VMEM((_N,), jnp.int32),
        pltpu.VMEM((_BUF,), jnp.int32),
        pltpu.SemaphoreType.DMA,
    ],
)
def _sc_pair(ei_hbm, an_hbm, pair_hbm, eio_hbm, ei_v, an_v, pair_v, sem):
    wid = lax.axis_index("s") * 2 + lax.axis_index("c")
    base = wid * _EPW
    tbase = _TAIL0 + wid * 128

    an_cp = pltpu.async_copy(an_hbm, an_v, sem)
    ei_cp = pltpu.async_copy(ei_hbm.at[:, pl.ds(base, _EPW)],
                             ei_v.at[:, pl.ds(0, _EPW)], sem)

    @pl.when(wid < _TAILW)
    def _load_tail():
        pltpu.sync_copy(ei_hbm.at[:, pl.ds(tbase, 128)],
                        ei_v.at[:, pl.ds(_EPW, 128)])

    ei_cp.wait()
    an_cp.wait()
    eio_cp = pltpu.async_copy(ei_v.at[:, pl.ds(0, _EPW)],
                              eio_hbm.at[:, pl.ds(base, _EPW)], sem)

    nchunks = _EPW // 16 + jnp.where(wid < _TAILW, 8, 0)

    @plsc.parallel_loop(0, nchunks, unroll=4)
    def _gather_loop(i):
        s = ei_v[0, pl.ds(i * 16, 16)]
        d = ei_v[1, pl.ds(i * 16, 16)]
        a = plsc.load_gather(an_v, [s])
        b = plsc.load_gather(an_v, [d])
        pair_v[pl.ds(i * 16, 16)] = a * 4 + b
    pltpu.sync_copy(pair_v.at[pl.ds(0, _EPW)],
                    pair_hbm.at[0, pl.ds(base, _EPW)])

    @pl.when(wid < _TAILW)
    def _store_tail():
        pltpu.sync_copy(pair_v.at[pl.ds(_EPW, 128)],
                        pair_hbm.at[0, pl.ds(tbase, 128)])
        pltpu.sync_copy(ei_v.at[:, pl.ds(_EPW, 128)],
                        eio_hbm.at[:, pl.ds(tbase, 128)])

    eio_cp.wait()


_B = 16000
_GRID = _E // _B


def _tc_expand_body(pair_ref, w_ref, out_ref, tt_ref):
    @pl.when(pl.program_id(0) == 0)
    def _build_table():
        w = w_ref[...]
        r = lax.broadcasted_iota(jnp.int32, (16, 16), 0)
        j = lax.broadcasted_iota(jnp.int32, (16, 16), 1)
        pswap = (j == (r % 4) * 4 + r // 4).astype(jnp.float32)
        wswap = jnp.dot(pswap, w, preferred_element_type=jnp.float32)
        c = lax.broadcasted_iota(jnp.int32, (_ROW, 48), 0)
        k = lax.broadcasted_iota(jnp.int32, (_ROW, 48), 1)
        sat = (c == (k // 16) * 32 + (k % 16)).astype(jnp.float32)
        sbt = (c == (k // 16) * 32 + 16 + (k % 16)).astype(jnp.float32)
        tta = lax.dot_general(sat, w, (((1,), (1,)), ((), ())),
                              preferred_element_type=jnp.float32)
        ttb = lax.dot_general(sbt, wswap, (((1,), (1,)), ((), ())),
                              preferred_element_type=jnp.float32)
        cc = lax.broadcasted_iota(jnp.int32, (_ROW, 16), 0)
        q = lax.broadcasted_iota(jnp.int32, (_ROW, 16), 1)
        sda = jnp.where(q < 4, 2, 3)
        sdb = jnp.where(q % 4 == 0, 2, 3)
        ma = ((cc % 32) < 16) & ((cc // 32) < sda)
        mb = ((cc % 32) >= 16) & ((cc // 32) < sdb)
        tt_ref[...] = jnp.where(ma, tta, 0.0) + jnp.where(mb, ttb, 0.0)

    cls = lax.broadcasted_iota(jnp.int32, (16, _B), 0)
    oht = (pair_ref[...] == cls).astype(jnp.float32)
    out_ref[...] = jnp.dot(tt_ref[...], oht,
                           preferred_element_type=jnp.float32)


_tc_expand = pl.pallas_call(
    _tc_expand_body,
    grid=(_GRID,),
    in_specs=[
        pl.BlockSpec((1, _B), lambda i: (0, i)),
        pl.BlockSpec((16, 48), lambda i: (0, 0)),
    ],
    out_specs=pl.BlockSpec((_ROW, _B), lambda i: (0, i)),
    out_shape=jax.ShapeDtypeStruct((_ROW, _E), jnp.float32),
    scratch_shapes=[pltpu.VMEM((_ROW, 16), jnp.float32)],
    compiler_params=pltpu.CompilerParams(vmem_limit_bytes=120 * 1024 * 1024),
)


def kernel(atomic_numbers, edge_index, W_edge, W_node):
    del W_node
    an = atomic_numbers.astype(jnp.int32)
    ei = edge_index.astype(jnp.int32)
    pair, ei_out = _sc_pair(ei, an)
    out_t = _tc_expand(pair, W_edge.astype(jnp.float32))
    out = out_t.reshape(_BDMAX, 2 * _CH, _E).transpose(2, 0, 1)
    return out, ei_out

# --- scband reference (transcript-rebuilt; emitter-appended) ---
"""Pipeline reference for scband-edge-embedding-v2-11038065951285 (READ-ONLY COPY).

The authoritative reference and input builder live on the scoring server;
editing this copy changes nothing except your own understanding.
"""

import jax, jax.numpy as jnp
import numpy as np

N_NODES = 10000
N_EDGES = 160000
N_TYPES = 4            # len(basis_info.atomic_numbers); atomic numbers remapped to 0..3
CHANNELS = 16
SCALAR_DIM_MAX = 3     # max count of l==0 basis funcs per atom type ([2,3,3,3])
BASIS_DIM_MAX = 14     # max(basis_dim_per_atom) = [5,14,14,14]
ATOM_INDEX = jnp.arange(N_TYPES)          # atomic_number_to_atom_index (identity remap)
SCALAR_DIMS = jnp.array([2, 3, 3, 3])


def setup_inputs(seed: int = 0) -> dict:
    key = jax.random.key(seed)
    k1, k2, k3, k4 = jax.random.split(key, 4)
    atomic_numbers = jax.random.randint(k1, (N_NODES,), 0, N_TYPES)
    edge_index = jax.random.randint(k2, (2, N_EDGES), 0, N_NODES)
    # nn.Embedding weights for the two EdgeEmbedding submodules: [N_TYPES**2, channels*scalar_dim_max]
    W_edge = jax.random.normal(k3, (N_TYPES * N_TYPES, SCALAR_DIM_MAX * CHANNELS), dtype=jnp.float32)
    W_node = jax.random.normal(k4, (N_TYPES * N_TYPES, SCALAR_DIM_MAX * CHANNELS), dtype=jnp.float32)
    return {"atomic_numbers": atomic_numbers, "edge_index": edge_index,
            "W_edge": W_edge, "W_node": W_node}


def _edge_embedding(W, atomic_numbers, edge_index):
    # EdgeEmbedding.forward, vectorized: the (a,b) double loop only depends on the
    # atom index of endpoint a (resp. b) through scalar_dims, so it is a per-edge
    # dimension mask over the first scalar_dims[idx] slots, zero-padded to BASIS_DIM_MAX.
    idx_a = ATOM_INDEX[atomic_numbers[edge_index[0]]]
    idx_b = ATOM_INDEX[atomic_numbers[edge_index[1]]]
    # edge_to_embedding_index[i, j] = i * N_TYPES + j (arange view)
    feats_ab = jnp.take(W, idx_a * N_TYPES + idx_b, axis=0).reshape(-1, SCALAR_DIM_MAX, CHANNELS)
    feats_ba = jnp.take(W, idx_b * N_TYPES + idx_a, axis=0).reshape(-1, SCALAR_DIM_MAX, CHANNELS)
    pad = ((0, 0), (0, BASIS_DIM_MAX - SCALAR_DIM_MAX), (0, 0))
    fa = jnp.pad(feats_ab, pad)
    fb = jnp.pad(feats_ba, pad)
    dims = jnp.arange(BASIS_DIM_MAX)[None, :]
    mask_a = (dims < SCALAR_DIMS[idx_a][:, None])[..., None]
    mask_b = (dims < SCALAR_DIMS[idx_b][:, None])[..., None]
    edge_a = jnp.where(mask_a, fa, 0.0)
    edge_b = jnp.where(mask_b, fb, 0.0)
    return jnp.concatenate([edge_a, edge_b], axis=-1)  # [E, BASIS_DIM_MAX, 2*CHANNELS]


def reference(atomic_numbers, edge_index, W_edge, W_node):
    edge_features = _edge_embedding(W_edge, atomic_numbers, edge_index)
    node_cor_per_edge = _edge_embedding(W_node, atomic_numbers, edge_index)
    ea = edge_features[..., :CHANNELS]
    eb = edge_features[..., CHANNELS:]
    # Faithful to the torch source: node_cor_a/b start as zeros and the
    # NON-in-place Tensor.index_add(...) return value is discarded, so the
    # self-loop correction actually added is exactly zero.
    self_loop = edge_index[0] == edge_index[1]
    zero_cor = node_cor_per_edge.sum() * 0.0
    out_a = ea + zero_cor
    out_b = eb + zero_cor
    out = jnp.concatenate([out_a, out_b], axis=-1)
    del self_loop
    return (out, edge_index)

if __name__ == "__main__":
    import jax
    _d = setup_inputs()
    print(jax.jit(kernel)(*tuple(_d.values())))

</pallas_src>

<mosaic_0001>
#map = affine_map<(d0, d1) -> (0, 0)>
#map1 = affine_map<(d0, d1) -> (0)>
module attributes {stable_mosaic.version = 14 : i64} {
  func.func @_sc_pair(%arg0: i32, %arg1: i32, %arg2: memref<2x160000xi32, #tpu.memory_space<hbm>>, %arg3: memref<10000xi32, #tpu.memory_space<hbm>>, %arg4: memref<1x160000xi32, #tpu.memory_space<hbm>>, %arg5: memref<2x160000xi32, #tpu.memory_space<hbm>>, %arg6: memref<2x5120xi32, #tpu.memory_space<vmem>>, %arg7: memref<10000xi32, #tpu.memory_space<vmem>>, %arg8: memref<5120xi32, #tpu.memory_space<vmem>>, %arg9: memref<!tpu.dma_semaphore, #tpu.memory_space<semaphore_mem>>) attributes {dimension_semantics = [#tpu.dimension_semantics<core_parallel>, #tpu.dimension_semantics<subcore_parallel>], iteration_bounds = array<i64: 2, 16>, scalar_prefetch = 0 : i64, scratch_operands = 4 : i64, tpu.core_type = #tpu.core_type<sc_vector_subcore>, window_params = [{transform_indices = #map}, {transform_indices = #map1}, {transform_indices = #map}, {transform_indices = #map}]} {
    %mul3A = arith.constant 2 : i32
    %mul3A_0 = arith.muli %arg1, %mul3A : i32
    %add3A = arith.addi %mul3A_0, %arg0 : i32
    %mul3A_1 = arith.constant 4992 : i32
    %mul3A_2 = arith.muli %add3A, %mul3A_1 : i32
    %mul3A_3 = arith.constant 128 : i32
    %mul3A_4 = arith.muli %add3A, %mul3A_3 : i32
    %add3A_5 = arith.constant 159744 : i32
    %add3A_6 = arith.addi %add3A_5, %mul3A_4 : i32
    tpu.enqueue_dma source(%arg3 : memref<10000xi32, #tpu.memory_space<hbm>>) target(%arg7 : memref<10000xi32, #tpu.memory_space<vmem>>) target_semaphore(%arg9 : memref<!tpu.dma_semaphore, #tpu.memory_space<semaphore_mem>>)
    %dma_start3A = arith.constant 0 : i32
    %dma_start3A_7 = arith.constant 0 : i32
    %dma_start3A_8 = tpu.memref_slice %arg6[%dma_start3A, %dma_start3A_7] : memref<2x5120xi32, #tpu.memory_space<vmem>> -> memref<2x4992xi32, #tpu.memory_space<vmem>>
    %dma_start3A_9 = arith.constant 0 : i32
    %dma_start3A_10 = tpu.memref_slice %arg2[%dma_start3A_9, %mul3A_2] : memref<2x160000xi32, #tpu.memory_space<hbm>> -> memref<2x4992xi32, #tpu.memory_space<hbm>>
    %dma_start3A_11 = arith.constant 0 : i32
    %dma_start3A_12 = arith.constant 0 : i32
    %dma_start3A_13 = tpu.memref_slice %arg6[%dma_start3A_11, %dma_start3A_12] : memref<2x5120xi32, #tpu.memory_space<vmem>> -> memref<2x4992xi32, #tpu.memory_space<vmem>>
    %dma_start3A_14 = arith.constant 0 : i32
    %dma_start3A_15 = tpu.memref_slice %arg2[%dma_start3A_14, %mul3A_2] : memref<2x160000xi32, #tpu.memory_space<hbm>> -> memref<2x4992xi32, #tpu.memory_space<hbm>>
    tpu.enqueue_dma source(%dma_start3A_15 : memref<2x4992xi32, #tpu.memory_space<hbm>>) target(%dma_start3A_13 : memref<2x4992xi32, #tpu.memory_space<vmem>>) target_semaphore(%arg9 : memref<!tpu.dma_semaphore, #tpu.memory_space<semaphore_mem>>)
    %lt3A = arith.constant 2 : i32
    %lt3A_16 = arith.cmpi slt, %add3A, %lt3A : i32
    %convert_element_type3A = arith.extui %lt3A_16 : i1 to i32
    %cond3A = arith.constant 0 : i32
    %cond3A_17 = arith.cmpi ne, %convert_element_type3A, %cond3A : i32
    scf.if %cond3A_17 {
      "tpu.region"() ({
        %run_scoped3A_58 = tpu.sem_alloc : memref<!tpu.dma_semaphore, #tpu.memory_space<semaphore_mem>>
        %dma_start3A_59 = arith.constant 0 : i32
        %dma_start3A_60 = arith.constant 4992 : i32
        %dma_start3A_61 = tpu.memref_slice %arg6[%dma_start3A_59, %dma_start3A_60] : memref<2x5120xi32, #tpu.memory_space<vmem>> -> memref<2x128xi32, #tpu.memory_space<vmem>>
        %dma_start3A_62 = arith.constant 0 : i32
        %dma_start3A_63 = tpu.memref_slice %arg2[%dma_start3A_62, %add3A_6] : memref<2x160000xi32, #tpu.memory_space<hbm>> -> memref<2x128xi32, #tpu.memory_space<hbm>>
        %dma_start3A_64 = arith.constant 0 : i32
        %dma_start3A_65 = arith.constant 4992 : i32
        %dma_start3A_66 = tpu.memref_slice %arg6[%dma_start3A_64, %dma_start3A_65] : memref<2x5120xi32, #tpu.memory_space<vmem>> -> memref<2x128xi32, #tpu.memory_space<vmem>>
        %dma_start3A_67 = arith.constant 0 : i32
        %dma_start3A_68 = tpu.memref_slice %arg2[%dma_start3A_67, %add3A_6] : memref<2x160000xi32, #tpu.memory_space<hbm>> -> memref<2x128xi32, #tpu.memory_space<hbm>>
        tpu.enqueue_dma source(%dma_start3A_68 : memref<2x128xi32, #tpu.memory_space<hbm>>) target(%dma_start3A_66 : memref<2x128xi32, #tpu.memory_space<vmem>>) target_semaphore(%run_scoped3A_58 : memref<!tpu.dma_semaphore, #tpu.memory_space<semaphore_mem>>)
        %dma_wait3A_69 = arith.constant 0 : i32
        %dma_wait3A_70 = arith.constant 4992 : i32
        %dma_wait3A_71 = tpu.memref_slice %arg6[%dma_wait3A_69, %dma_wait3A_70] : memref<2x5120xi32, #tpu.memory_space<vmem>> -> memref<2x128xi32, #tpu.memory_space<vmem>>
        %dma_wait3A_72 = arith.constant 0 : i32
        %dma_wait3A_73 = tpu.memref_slice %arg2[%dma_wait3A_72, %add3A_6] : memref<2x160000xi32, #tpu.memory_space<hbm>> -> memref<2x128xi32, #tpu.memory_space<hbm>>
        %dma_wait3A_74 = arith.constant 0 : i32
        %dma_wait3A_75 = arith.constant 4992 : i32
        %dma_wait3A_76 = tpu.memref_slice %arg6[%dma_wait3A_74, %dma_wait3A_75] : memref<2x5120xi32, #tpu.memory_space<vmem>> -> memref<2x128xi32, #tpu.memory_space<vmem>>
        %dma_wait3A_77 = arith.constant 0 : i32
        %dma_wait3A_78 = tpu.memref_slice %arg2[%dma_wait3A_77, %add3A_6] : memref<2x160000xi32, #tpu.memory_space<hbm>> -> memref<2x128xi32, #tpu.memory_space<hbm>>
        tpu.wait_dma2 semaphore(%run_scoped3A_58 : memref<!tpu.dma_semaphore, #tpu.memory_space<semaphore_mem>>) src(%dma_wait3A_78 : memref<2x128xi32, #tpu.memory_space<hbm>>) dst(%dma_wait3A_76 : memref<2x128xi32, #tpu.memory_space<vmem>>)
        tpu.yield
      }) : () -> ()
    } else {
    }
    %dma_wait3A = arith.constant 0 : i32
    %dma_wait3A_18 = arith.constant 0 : i32
    %dma_wait3A_19 = tpu.memref_slice %arg6[%dma_wait3A, %dma_wait3A_18] : memref<2x5120xi32, #tpu.memory_space<vmem>> -> memref<2x4992xi32, #tpu.memory_space<vmem>>
    %dma_wait3A_20 = arith.constant 0 : i32
    %dma_wait3A_21 = tpu.memref_slice %arg2[%dma_wait3A_20, %mul3A_2] : memref<2x160000xi32, #tpu.memory_space<hbm>> -> memref<2x4992xi32, #tpu.memory_space<hbm>>
    %dma_wait3A_22 = arith.constant 0 : i32
    %dma_wait3A_23 = arith.constant 0 : i32
    %dma_wait3A_24 = tpu.memref_slice %arg6[%dma_wait3A_22, %dma_wait3A_23] : memref<2x5120xi32, #tpu.memory_space<vmem>> -> memref<2x4992xi32, #tpu.memory_space<vmem>>
    %dma_wait3A_25 = arith.constant 0 : i32
    %dma_wait3A_26 = tpu.memref_slice %arg2[%dma_wait3A_25, %mul3A_2] : memref<2x160000xi32, #tpu.memory_space<hbm>> -> memref<2x4992xi32, #tpu.memory_space<hbm>>
    tpu.wait_dma2 semaphore(%arg9 : memref<!tpu.dma_semaphore, #tpu.memory_space<semaphore_mem>>) src(%dma_wait3A_26 : memref<2x4992xi32, #tpu.memory_space<hbm>>) dst(%dma_wait3A_24 : memref<2x4992xi32, #tpu.memory_space<vmem>>)
    tpu.wait_dma2 semaphore(%arg9 : memref<!tpu.dma_semaphore, #tpu.memory_space<semaphore_mem>>) src(%arg3 : memref<10000xi32, #tpu.memory_space<hbm>>) dst(%arg7 : memref<10000xi32, #tpu.memory_space<vmem>>)
    %dma_start3A_27 = arith.constant 0 : i32
    %dma_start3A_28 = arith.constant 0 : i32
    %dma_start3A_29 = tpu.memref_slice %arg6[%dma_start3A_27, %dma_start3A_28] : memref<2x5120xi32, #tpu.memory_space<vmem>> -> memref<2x4992xi32, #tpu.memory_space<vmem>>
    %dma_start3A_30 = arith.constant 0 : i32
    %dma_start3A_31 = tpu.memref_slice %arg5[%dma_start3A_30, %mul3A_2] : memref<2x160000xi32, #tpu.memory_space<hbm>> -> memref<2x4992xi32, #tpu.memory_space<hbm>>
    %dma_start3A_32 = arith.constant 0 : i32
    %dma_start3A_33 = tpu.memref_slice %arg5[%dma_start3A_32, %mul3A_2] : memref<2x160000xi32, #tpu.memory_space<hbm>> -> memref<2x4992xi32, #tpu.memory_space<hbm>>
    %dma_start3A_34 = arith.constant 0 : i32
    %dma_start3A_35 = arith.constant 0 : i32
    %dma_start3A_36 = tpu.memref_slice %arg6[%dma_start3A_34, %dma_start3A_35] : memref<2x5120xi32, #tpu.memory_space<vmem>> -> memref<2x4992xi32, #tpu.memory_space<vmem>>
    tpu.enqueue_dma source(%dma_start3A_36 : memref<2x4992xi32, #tpu.memory_space<vmem>>) target(%dma_start3A_33 : memref<2x4992xi32, #tpu.memory_space<hbm>>) target_semaphore(%arg9 : memref<!tpu.dma_semaphore, #tpu.memory_space<semaphore_mem>>)
    %lt3A_37 = arith.constant 2 : i32
    %lt3A_38 = arith.cmpi slt, %add3A, %lt3A_37 : i32
    %jit3A = arith.constant 8 : i32
    %jit3A_39 = arith.constant 0 : i32
    %select_n3A = arith.select %lt3A_38, %jit3A, %jit3A_39 : i32
    %add3A_40 = arith.constant 312 : i32
    %add3A_41 = arith.addi %add3A_40, %select_n3A : i32
    %parallel_loop3A = arith.constant 0 : i32
    %parallel_loop3A_42 = arith.constant 1 : i32
    scf.for %parallel_loop3A_58 = %parallel_loop3A to %add3A_41 step %parallel_loop3A_42  : i32 {
      %parallel_loop3A_59 = arith.constant 16 : i32
      %parallel_loop3A_60 = arith.muli %parallel_loop3A_58, %parallel_loop3A_59 : i32
      %parallel_loop3A_61 = arith.constant 0 : i32
      %parallel_loop3A_62 = arith.index_cast %parallel_loop3A_61 : i32 to index
      %parallel_loop3A_63 = arith.index_cast %parallel_loop3A_60 : i32 to index
      %parallel_loop3A_64 = tpu.vector_load %arg6[%parallel_loop3A_62, %parallel_loop3A_63] {strides = array<i32>} : memref<2x5120xi32, #tpu.memory_space<vmem>>, vector<16xi32>,
      %parallel_loop3A_65 = arith.constant 16 : i32
      %parallel_loop3A_66 = arith.muli %parallel_loop3A_58, %parallel_loop3A_65 : i32
      %parallel_loop3A_67 = arith.constant 1 : i32
      %parallel_loop3A_68 = arith.index_cast %parallel_loop3A_67 : i32 to index
      %parallel_loop3A_69 = arith.index_cast %parallel_loop3A_66 : i32 to index
      %parallel_loop3A_70 = tpu.vector_load %arg6[%parallel_loop3A_68, %parallel_loop3A_69] {strides = array<i32>} : memref<2x5120xi32, #tpu.memory_space<vmem>>, vector<16xi32>,
      %parallel_loop3A_71 = tpu.vector_load_idx %arg7[%parallel_loop3A_64] : memref<10000xi32, #tpu.memory_space<vmem>>[vector<16xi32>], vector<16xi32>,
      %parallel_loop3A_72 = tpu.vector_load_idx %arg7[%parallel_loop3A_70] : memref<10000xi32, #tpu.memory_space<vmem>>[vector<16xi32>], vector<16xi32>,
      %parallel_loop3A_73 = arith.constant 4 : i32
      %parallel_loop3A_74 = vector.broadcast %parallel_loop3A_73 : i32 to vector<16xi32>
      %parallel_loop3A_75 = arith.muli %parallel_loop3A_71, %parallel_loop3A_74 : vector<16xi32>
      %parallel_loop3A_76 = arith.addi %parallel_loop3A_75, %parallel_loop3A_72 : vector<16xi32>
      %parallel_loop3A_77 = arith.constant 16 : i32
      %parallel_loop3A_78 = arith.muli %parallel_loop3A_58, %parallel_loop3A_77 : i32
      %parallel_loop3A_79 = arith.index_cast %parallel_loop3A_78 : i32 to index
      %parallel_loop3A_80 = tpu.vector_load %arg8[%parallel_loop3A_79] {strides = array<i32>} : memref<5120xi32, #tpu.memory_space<vmem>>, vector<16xi32>,
      tpu.vector_store %arg8[%parallel_loop3A_79], %parallel_loop3A_76 {strides = array<i32>} : memref<5120xi32, #tpu.memory_space<vmem>>, vector<16xi32>,
    } {sc.loop_unroll_factor = 4 : i64, sc.parallel_access}
    %run_scoped3A = arith.constant 0 : i32
    "tpu.region"() ({
      %run_scoped3A_58 = tpu.sem_alloc : memref<!tpu.dma_semaphore, #tpu.memory_space<semaphore_mem>>
      %dma_start3A_59 = arith.constant 0 : i32
      %dma_start3A_60 = tpu.memref_slice %arg8[%dma_start3A_59] : memref<5120xi32, #tpu.memory_space<vmem>> -> memref<4992xi32, #tpu.memory_space<vmem>>
      %dma_start3A_61 = tpu.memref_slice %arg4[%run_scoped3A, %mul3A_2] : memref<1x160000xi32, #tpu.memory_space<hbm>> -> memref<1x4992xi32, #tpu.memory_space<hbm>>
      %dma_start3A_62 = tpu.memref_squeeze %dma_start3A_61 : memref<1x4992xi32, #tpu.memory_space<hbm>> -> memref<4992xi32, #tpu.memory_space<hbm>>
      %dma_start3A_63 = tpu.memref_slice %arg4[%run_scoped3A, %mul3A_2] : memref<1x160000xi32, #tpu.memory_space<hbm>> -> memref<1x4992xi32, #tpu.memory_space<hbm>>
      %dma_start3A_64 = tpu.memref_squeeze %dma_start3A_63 : memref<1x4992xi32, #tpu.memory_space<hbm>> -> memref<4992xi32, #tpu.memory_space<hbm>>
      %dma_start3A_65 = arith.constant 0 : i32
      %dma_start3A_66 = tpu.memref_slice %arg8[%dma_start3A_65] : memref<5120xi32, #tpu.memory_space<vmem>> -> memref<4992xi32, #tpu.memory_space<vmem>>
      tpu.enqueue_dma source(%dma_start3A_66 : memref<4992xi32, #tpu.memory_space<vmem>>) target(%dma_start3A_64 : memref<4992xi32, #tpu.memory_space<hbm>>) target_semaphore(%run_scoped3A_58 : memref<!tpu.dma_semaphore, #tpu.memory_space<semaphore_mem>>)
      %dma_wait3A_67 = arith.constant 0 : i32
      %dma_wait3A_68 = tpu.memref_slice %arg8[%dma_wait3A_67] : memref<5120xi32, #tpu.memory_space<vmem>> -> memref<4992xi32, #tpu.memory_space<vmem>>
      %dma_wait3A_69 = tpu.memref_slice %arg4[%run_scoped3A, %mul3A_2] : memref<1x160000xi32, #tpu.memory_space<hbm>> -> memref<1x4992xi32, #tpu.memory_space<hbm>>
      %dma_wait3A_70 = tpu.memref_squeeze %dma_wait3A_69 : memref<1x4992xi32, #tpu.memory_space<hbm>> -> memref<4992xi32, #tpu.memory_space<hbm>>
      %dma_wait3A_71 = tpu.memref_slice %arg4[%run_scoped3A, %mul3A_2] : memref<1x160000xi32, #tpu.memory_space<hbm>> -> memref<1x4992xi32, #tpu.memory_space<hbm>>
      %dma_wait3A_72 = tpu.memref_squeeze %dma_wait3A_71 : memref<1x4992xi32, #tpu.memory_space<hbm>> -> memref<4992xi32, #tpu.memory_space<hbm>>
      %dma_wait3A_73 = arith.constant 0 : i32
      %dma_wait3A_74 = tpu.memref_slice %arg8[%dma_wait3A_73] : memref<5120xi32, #tpu.memory_space<vmem>> -> memref<4992xi32, #tpu.memory_space<vmem>>
      tpu.wait_dma2 semaphore(%run_scoped3A_58 : memref<!tpu.dma_semaphore, #tpu.memory_space<semaphore_mem>>) src(%dma_wait3A_74 : memref<4992xi32, #tpu.memory_space<vmem>>) dst(%dma_wait3A_72 : memref<4992xi32, #tpu.memory_space<hbm>>)
      tpu.yield
    }) : () -> ()
    %lt3A_43 = arith.constant 2 : i32
    %lt3A_44 = arith.cmpi slt, %add3A, %lt3A_43 : i32
    %convert_element_type3A_45 = arith.extui %lt3A_44 : i1 to i32
    %cond3A_46 = arith.constant 0 : i32
    %cond3A_47 = arith.cmpi ne, %convert_element_type3A_45, %cond3A_46 : i32
    scf.if %cond3A_47 {
      %run_scoped3A_58 = arith.constant 0 : i32
      "tpu.region"() ({
        %run_scoped3A_59 = tpu.sem_alloc : memref<!tpu.dma_semaphore, #tpu.memory_space<semaphore_mem>>
        %dma_start3A_60 = arith.constant 4992 : i32
        %dma_start3A_61 = tpu.memref_slice %arg8[%dma_start3A_60] : memref<5120xi32, #tpu.memory_space<vmem>> -> memref<128xi32, #tpu.memory_space<vmem>>
        %dma_start3A_62 = tpu.memref_slice %arg4[%run_scoped3A_58, %add3A_6] : memref<1x160000xi32, #tpu.memory_space<hbm>> -> memref<1x128xi32, #tpu.memory_space<hbm>>
        %dma_start3A_63 = tpu.memref_squeeze %dma_start3A_62 : memref<1x128xi32, #tpu.memory_space<hbm>> -> memref<128xi32, #tpu.memory_space<hbm>>
        %dma_start3A_64 = tpu.memref_slice %arg4[%run_scoped3A_58, %add3A_6] : memref<1x160000xi32, #tpu.memory_space<hbm>> -> memref<1x128xi32, #tpu.memory_space<hbm>>
        %dma_start3A_65 = tpu.memref_squeeze %dma_start3A_64 : memref<1x128xi32, #tpu.memory_space<hbm>> -> memref<128xi32, #tpu.memory_space<hbm>>
        %dma_start3A_66 = arith.constant 4992 : i32
        %dma_start3A_67 = tpu.memref_slice %arg8[%dma_start3A_66] : memref<5120xi32, #tpu.memory_space<vmem>> -> memref<128xi32, #tpu.memory_space<vmem>>
        tpu.enqueue_dma source(%dma_start3A_67 : memref<128xi32, #tpu.memory_space<vmem>>) target(%dma_start3A_65 : memref<128xi32, #tpu.memory_space<hbm>>) target_semaphore(%run_scoped3A_59 : memref<!tpu.dma_semaphore, #tpu.memory_space<semaphore_mem>>)
        %dma_wait3A_68 = arith.constant 4992 : i32
        %dma_wait3A_69 = tpu.memref_slice %arg8[%dma_wait3A_68] : memref<5120xi32, #tpu.memory_space<vmem>> -> memref<128xi32, #tpu.memory_space<vmem>>
        %dma_wait3A_70 = tpu.memref_slice %arg4[%run_scoped3A_58, %add3A_6] : memref<1x160000xi32, #tpu.memory_space<hbm>> -> memref<1x128xi32, #tpu.memory_space<hbm>>
        %dma_wait3A_71 = tpu.memref_squeeze %dma_wait3A_70 : memref<1x128xi32, #tpu.memory_space<hbm>> -> memref<128xi32, #tpu.memory_space<hbm>>
        %dma_wait3A_72 = tpu.memref_slice %arg4[%run_scoped3A_58, %add3A_6] : memref<1x160000xi32, #tpu.memory_space<hbm>> -> memref<1x128xi32, #tpu.memory_space<hbm>>
        %dma_wait3A_73 = tpu.memref_squeeze %dma_wait3A_72 : memref<1x128xi32, #tpu.memory_space<hbm>> -> memref<128xi32, #tpu.memory_space<hbm>>
        %dma_wait3A_74 = arith.constant 4992 : i32
        %dma_wait3A_75 = tpu.memref_slice %arg8[%dma_wait3A_74] : memref<5120xi32, #tpu.memory_space<vmem>> -> memref<128xi32, #tpu.memory_space<vmem>>
        tpu.wait_dma2 semaphore(%run_scoped3A_59 : memref<!tpu.dma_semaphore, #tpu.memory_space<semaphore_mem>>) src(%dma_wait3A_75 : memref<128xi32, #tpu.memory_space<vmem>>) dst(%dma_wait3A_73 : memref<128xi32, #tpu.memory_space<hbm>>)
        tpu.yield
      }) : () -> ()
      "tpu.region"() ({
        %run_scoped3A_59 = tpu.sem_alloc : memref<!tpu.dma_semaphore, #tpu.memory_space<semaphore_mem>>
        %dma_start3A_60 = arith.constant 0 : i32
        %dma_start3A_61 = arith.constant 4992 : i32
        %dma_start3A_62 = tpu.memref_slice %arg6[%dma_start3A_60, %dma_start3A_61] : memref<2x5120xi32, #tpu.memory_space<vmem>> -> memref<2x128xi32, #tpu.memory_space<vmem>>
        %dma_start3A_63 = arith.constant 0 : i32
        %dma_start3A_64 = tpu.memref_slice %arg5[%dma_start3A_63, %add3A_6] : memref<2x160000xi32, #tpu.memory_space<hbm>> -> memref<2x128xi32, #tpu.memory_space<hbm>>
        %dma_start3A_65 = arith.constant 0 : i32
        %dma_start3A_66 = tpu.memref_slice %arg5[%dma_start3A_65, %add3A_6] : memref<2x160000xi32, #tpu.memory_space<hbm>> -> memref<2x128xi32, #tpu.memory_space<hbm>>
        %dma_start3A_67 = arith.constant 0 : i32
        %dma_start3A_68 = arith.constant 4992 : i32
        %dma_start3A_69 = tpu.memref_slice %arg6[%dma_start3A_67, %dma_start3A_68] : memref<2x5120xi32, #tpu.memory_space<vmem>> -> memref<2x128xi32, #tpu.memory_space<vmem>>
        tpu.enqueue_dma source(%dma_start3A_69 : memref<2x128xi32, #tpu.memory_space<vmem>>) target(%dma_start3A_66 : memref<2x128xi32, #tpu.memory_space<hbm>>) target_semaphore(%run_scoped3A_59 : memref<!tpu.dma_semaphore, #tpu.memory_space<semaphore_mem>>)
        %dma_wait3A_70 = arith.constant 0 : i32
        %dma_wait3A_71 = arith.constant 4992 : i32
        %dma_wait3A_72 = tpu.memref_slice %arg6[%dma_wait3A_70, %dma_wait3A_71] : memref<2x5120xi32, #tpu.memory_space<vmem>> -> memref<2x128xi32, #tpu.memory_space<vmem>>
        %dma_wait3A_73 = arith.constant 0 : i32
        %dma_wait3A_74 = tpu.memref_slice %arg5[%dma_wait3A_73, %add3A_6] : memref<2x160000xi32, #tpu.memory_space<hbm>> -> memref<2x128xi32, #tpu.memory_space<hbm>>
        %dma_wait3A_75 = arith.constant 0 : i32
        %dma_wait3A_76 = tpu.memref_slice %arg5[%dma_wait3A_75, %add3A_6] : memref<2x160000xi32, #tpu.memory_space<hbm>> -> memref<2x128xi32, #tpu.memory_space<hbm>>
        %dma_wait3A_77 = arith.constant 0 : i32
        %dma_wait3A_78 = arith.constant 4992 : i32
        %dma_wait3A_79 = tpu.memref_slice %arg6[%dma_wait3A_77, %dma_wait3A_78] : memref<2x5120xi32, #tpu.memory_space<vmem>> -> memref<2x128xi32, #tpu.memory_space<vmem>>
        tpu.wait_dma2 semaphore(%run_scoped3A_59 : memref<!tpu.dma_semaphore, #tpu.memory_space<semaphore_mem>>) src(%dma_wait3A_79 : memref<2x128xi32, #tpu.memory_space<vmem>>) dst(%dma_wait3A_76 : memref<2x128xi32, #tpu.memory_space<hbm>>)
        tpu.yield
      }) : () -> ()
    } else {
    }
    %dma_wait3A_48 = arith.constant 0 : i32
    %dma_wait3A_49 = arith.constant 0 : i32
    %dma_wait3A_50 = tpu.memref_slice %arg6[%dma_wait3A_48, %dma_wait3A_49] : memref<2x5120xi32, #tpu.memory_space<vmem>> -> memref<2x4992xi32, #tpu.memory_space<vmem>>
    %dma_wait3A_51 = arith.constant 0 : i32
    %dma_wait3A_52 = tpu.memref_slice %arg5[%dma_wait3A_51, %mul3A_2] : memref<2x160000xi32, #tpu.memory_space<hbm>> -> memref<2x4992xi32, #tpu.memory_space<hbm>>
    %dma_wait3A_53 = arith.constant 0 : i32
    %dma_wait3A_54 = tpu.memref_slice %arg5[%dma_wait3A_53, %mul3A_2] : memref<2x160000xi32, #tpu.memory_space<hbm>> -> memref<2x4992xi32, #tpu.memory_space<hbm>>
    %dma_wait3A_55 = arith.constant 0 : i32
    %dma_wait3A_56 = arith.constant 0 : i32
    %dma_wait3A_57 = tpu.memref_slice %arg6[%dma_wait3A_55, %dma_wait3A_56] : memref<2x5120xi32, #tpu.memory_space<vmem>> -> memref<2x4992xi32, #tpu.memory_space<vmem>>
    tpu.wait_dma2 semaphore(%arg9 : memref<!tpu.dma_semaphore, #tpu.memory_space<semaphore_mem>>) src(%dma_wait3A_57 : memref<2x4992xi32, #tpu.memory_space<vmem>>) dst(%dma_wait3A_54 : memref<2x4992xi32, #tpu.memory_space<hbm>>)
    return
  }
}

module attributes {stable_mosaic.version = 14 : i64} {
  func.func @_tc_expand_body(%arg0: i32, %arg1: memref<1x16000xi32, #tpu.memory_space<vmem>>, %arg2: memref<16x48xf32, #tpu.memory_space<vmem>>, %arg3: memref<448x16000xf32, #tpu.memory_space<vmem>>, %arg4: memref<448x16xf32, #tpu.memory_space<vmem>>) attributes {dimension_semantics = [#tpu.dimension_semantics<arbitrary>], iteration_bounds = array<i64: 10>, scalar_prefetch = 0 : i64, scratch_operands = 1 : i64, tpu.core_type = #tpu.core_type<tc>, window_params = [{transform_indices = @transform_0, window_bounds = array<i64: 1, 16000>}, {pipeline_mode = #tpu.pipeline_mode<synchronous>, transform_indices = @transform_1, window_bounds = array<i64: 16, 48>}, {transform_indices = @transform_2, window_bounds = array<i64: 448, 16000>}]} {
    %eq3A = arith.constant 0 : i32
    %eq3A_0 = arith.cmpi eq, %arg0, %eq3A : i32
    %convert_element_type3A = arith.extui %eq3A_0 : i1 to i32
    %cond3A = arith.constant 0 : i32
    %cond3A_1 = arith.cmpi ne, %convert_element_type3A, %cond3A : i32
    scf.if %cond3A_1 {
      %get3A_14 = arith.constant 0 : index
      %get3A_15 = arith.constant 0 : index
      %get3A_16 = vector.load %arg2[%get3A_14, %get3A_15] : memref<16x48xf32, #tpu.memory_space<vmem>>, vector<16x48xf32>
      %iota3A_17 = tpu.iota {dimensions = array<i32: 0>} : vector<16x16xi32>
      %iota3A_18 = tpu.iota {dimensions = array<i32: 1>} : vector<16x16xi32>
      %jit3A = arith.constant 4 : i32
      %eq3A_19 = arith.constant 0 : i32
      %eq3A_20 = arith.cmpi eq, %jit3A, %eq3A_19 : i32
      %jit3A_21 = arith.constant 1 : i32
      %select_n3A = arith.select %eq3A_20, %jit3A_21, %jit3A : i32
      %rem3A = vector.broadcast %select_n3A : i32 to vector<16x16xi32>
      %rem3A_22 = arith.remsi %iota3A_17, %rem3A : vector<16x16xi32>
      %ne3A = arith.constant 0 : i32
      %ne3A_23 = vector.broadcast %ne3A : i32 to vector<16x16xi32>
      %ne3A_24 = arith.cmpi ne, %rem3A_22, %ne3A_23 : vector<16x16xi32>
      %lt3A = arith.constant 0 : i32
      %lt3A_25 = vector.broadcast %lt3A : i32 to vector<16x16xi32>
      %lt3A_26 = arith.cmpi slt, %rem3A_22, %lt3A_25 : vector<16x16xi32>
      %lt3A_27 = arith.constant 0 : i32
      %lt3A_28 = arith.cmpi slt, %select_n3A, %lt3A_27 : i32
      %ne3A_29 = vector.broadcast %lt3A_28 : i1 to vector<16x16xi1>
      %ne3A_30 = vector.broadcast %ne3A_29 : vector<16x16xi1> to vector<16x16xi1>
      %ne3A_31 = arith.xori %lt3A_26, %ne3A_30 : vector<16x16xi1>
      %and3A = arith.andi %ne3A_31, %ne3A_24 : vector<16x16xi1>
      %add3A = vector.broadcast %select_n3A : i32 to vector<16x16xi32>
      %add3A_32 = arith.addi %rem3A_22, %add3A : vector<16x16xi32>
      %select_n3A_33 = arith.select %and3A, %add3A_32, %rem3A_22 : vector<16x16xi1>, vector<16x16xi32>
      %mul3A = arith.constant 4 : i32
      %mul3A_34 = vector.broadcast %mul3A : i32 to vector<16x16xi32>
      %mul3A_35 = arith.muli %select_n3A_33, %mul3A_34 : vector<16x16xi32>
      %jit3A_36 = arith.constant 4 : i32
      %div3A = vector.broadcast %jit3A_36 : i32 to vector<16x16xi32>
      %div3A_37 = arith.divsi %iota3A_17, %div3A : vector<16x16xi32>
      %sign3A = arith.constant 0 : i32
      %sign3A_38 = vector.broadcast %sign3A : i32 to vector<16x16xi32>
      %sign3A_39 = arith.cmpi sgt, %iota3A_17, %sign3A_38 : vector<16x16xi32>
      %sign3A_40 = arith.extui %sign3A_39 : vector<16x16xi1> to vector<16x16xi32>
      %sign3A_41 = arith.constant 0 : i32
      %sign3A_42 = vector.broadcast %sign3A_41 : i32 to vector<16x16xi32>
      %sign3A_43 = arith.cmpi slt, %iota3A_17, %sign3A_42 : vector<16x16xi32>
      %sign3A_44 = arith.extui %sign3A_43 : vector<16x16xi1> to vector<16x16xi32>
      %sign3A_45 = arith.subi %sign3A_40, %sign3A_44 : vector<16x16xi32>
      %sign3A_46 = arith.constant 0 : i32
      %sign3A_47 = arith.cmpi sgt, %jit3A_36, %sign3A_46 : i32
      %sign3A_48 = arith.extui %sign3A_47 : i1 to i32
      %sign3A_49 = arith.constant 0 : i32
      %sign3A_50 = arith.cmpi slt, %jit3A_36, %sign3A_49 : i32
      %sign3A_51 = arith.extui %sign3A_50 : i1 to i32
      %sign3A_52 = arith.subi %sign3A_48, %sign3A_51 : i32
      %ne3A_53 = vector.broadcast %sign3A_52 : i32 to vector<16x16xi32>
      %ne3A_54 = arith.cmpi ne, %sign3A_45, %ne3A_53 : vector<16x16xi32>
      %rem3A_55 = vector.broadcast %jit3A_36 : i32 to vector<16x16xi32>
      %rem3A_56 = arith.remsi %iota3A_17, %rem3A_55 : vector<16x16xi32>
      %ne3A_57 = arith.constant 0 : i32
      %ne3A_58 = vector.broadcast %ne3A_57 : i32 to vector<16x16xi32>
      %ne3A_59 = arith.cmpi ne, %rem3A_56, %ne3A_58 : vector<16x16xi32>
      %and3A_60 = arith.andi %ne3A_54, %ne3A_59 : vector<16x16xi1>
      %sub3A = arith.constant 1 : i32
      %sub3A_61 = vector.broadcast %sub3A : i32 to vector<16x16xi32>
      %sub3A_62 = arith.subi %div3A_37, %sub3A_61 : vector<16x16xi32>
      %select_n3A_63 = arith.select %and3A_60, %sub3A_62, %div3A_37 : vector<16x16xi1>, vector<16x16xi32>
      %add3A_64 = arith.addi %mul3A_35, %select_n3A_63 : vector<16x16xi32>
      %eq3A_65 = arith.cmpi eq, %iota3A_18, %add3A_64 : vector<16x16xi32>
      %convert_element_type3A_66 = arith.extui %eq3A_65 : vector<16x16xi1> to vector<16x16xi32>
      %convert_element_type3A_67 = arith.sitofp %convert_element_type3A_66 : vector<16x16xi32> to vector<16x16xf32>
      %dot_general3A_68 = arith.constant dense<0.000000e+00> : vector<16x48xf32>
      %dot_general3A_69 = tpu.matmul %convert_element_type3A_67, %get3A_16, %dot_general3A_68 {dimension_numbers = #tpu.dot_dimension_numbers<[1], [0], [0], [1], [0, 0, 1, 1], [], []>, transpose_lhs_hint = false} : vector<16x16xf32>, vector<16x48xf32>, vector<16x48xf32> -> vector<16x48xf32>
      %iota3A_70 = tpu.iota {dimensions = array<i32: 0>} : vector<448x48xi32>
      %iota3A_71 = tpu.iota {dimensions = array<i32: 1>} : vector<448x48xi32>
      %jit3A_72 = arith.constant 16 : i32
      %div3A_73 = vector.broadcast %jit3A_72 : i32 to vector<448x48xi32>
      %div3A_74 = arith.divsi %iota3A_71, %div3A_73 : vector<448x48xi32>
      %sign3A_75 = arith.constant 0 : i32
      %sign3A_76 = vector.broadcast %sign3A_75 : i32 to vector<448x48xi32>
      %sign3A_77 = arith.cmpi sgt, %iota3A_71, %sign3A_76 : vector<448x48xi32>
      %sign3A_78 = arith.extui %sign3A_77 : vector<448x48xi1> to vector<448x48xi32>
      %sign3A_79 = arith.constant 0 : i32
      %sign3A_80 = vector.broadcast %sign3A_79 : i32 to vector<448x48xi32>
      %sign3A_81 = arith.cmpi slt, %iota3A_71, %sign3A_80 : vector<448x48xi32>
      %sign3A_82 = arith.extui %sign3A_81 : vector<448x48xi1> to vector<448x48xi32>
      %sign3A_83 = arith.subi %sign3A_78, %sign3A_82 : vector<448x48xi32>
      %sign3A_84 = arith.constant 0 : i32
      %sign3A_85 = arith.cmpi sgt, %jit3A_72, %sign3A_84 : i32
      %sign3A_86 = arith.extui %sign3A_85 : i1 to i32
      %sign3A_87 = arith.constant 0 : i32
      %sign3A_88 = arith.cmpi slt, %jit3A_72, %sign3A_87 : i32
      %sign3A_89 = arith.extui %sign3A_88 : i1 to i32
      %sign3A_90 = arith.subi %sign3A_86, %sign3A_89 : i32
      %ne3A_91 = vector.broadcast %sign3A_90 : i32 to vector<448x48xi32>
      %ne3A_92 = arith.cmpi ne, %sign3A_83, %ne3A_91 : vector<448x48xi32>
      %rem3A_93 = vector.broadcast %jit3A_72 : i32 to vector<448x48xi32>
      %rem3A_94 = arith.remsi %iota3A_71, %rem3A_93 : vector<448x48xi32>
      %ne3A_95 = arith.constant 0 : i32
      %ne3A_96 = vector.broadcast %ne3A_95 : i32 to vector<448x48xi32>
      %ne3A_97 = arith.cmpi ne, %rem3A_94, %ne3A_96 : vector<448x48xi32>
      %and3A_98 = arith.andi %ne3A_92, %ne3A_97 : vector<448x48xi1>
      %sub3A_99 = arith.constant 1 : i32
      %sub3A_100 = vector.broadcast %sub3A_99 : i32 to vector<448x48xi32>
      %sub3A_101 = arith.subi %div3A_74, %sub3A_100 : vector<448x48xi32>
      %select_n3A_102 = arith.select %and3A_98, %sub3A_101, %div3A_74 : vector<448x48xi1>, vector<448x48xi32>
      %mul3A_103 = arith.constant 32 : i32
      %mul3A_104 = vector.broadcast %mul3A_103 : i32 to vector<448x48xi32>
      %mul3A_105 = arith.muli %select_n3A_102, %mul3A_104 : vector<448x48xi32>
      %jit3A_106 = arith.constant 16 : i32
      %eq3A_107 = arith.constant 0 : i32
      %eq3A_108 = arith.cmpi eq, %jit3A_106, %eq3A_107 : i32
      %jit3A_109 = arith.constant 1 : i32
      %select_n3A_110 = arith.select %eq3A_108, %jit3A_109, %jit3A_106 : i32
      %rem3A_111 = vector.broadcast %select_n3A_110 : i32 to vector<448x48xi32>
      %rem3A_112 = arith.remsi %iota3A_71, %rem3A_111 : vector<448x48xi32>
      %ne3A_113 = arith.constant 0 : i32
      %ne3A_114 = vector.broadcast %ne3A_113 : i32 to vector<448x48xi32>
      %ne3A_115 = arith.cmpi ne, %rem3A_112, %ne3A_114 : vector<448x48xi32>
      %lt3A_116 = arith.constant 0 : i32
      %lt3A_117 = vector.broadcast %lt3A_116 : i32 to vector<448x48xi32>
      %lt3A_118 = arith.cmpi slt, %rem3A_112, %lt3A_117 : vector<448x48xi32>
      %lt3A_119 = arith.constant 0 : i32
      %lt3A_120 = arith.cmpi slt, %select_n3A_110, %lt3A_119 : i32
      %ne3A_121 = vector.broadcast %lt3A_120 : i1 to vector<448x48xi1>
      %ne3A_122 = vector.broadcast %ne3A_121 : vector<448x48xi1> to vector<448x48xi1>
      %ne3A_123 = arith.xori %lt3A_118, %ne3A_122 : vector<448x48xi1>
      %and3A_124 = arith.andi %ne3A_123, %ne3A_115 : vector<448x48xi1>
      %add3A_125 = vector.broadcast %select_n3A_110 : i32 to vector<448x48xi32>
      %add3A_126 = arith.addi %rem3A_112, %add3A_125 : vector<448x48xi32>
      %select_n3A_127 = arith.select %and3A_124, %add3A_126, %rem3A_112 : vector<448x48xi1>, vector<448x48xi32>
      %add3A_128 = arith.addi %mul3A_105, %select_n3A_127 : vector<448x48xi32>
      %eq3A_129 = arith.cmpi eq, %iota3A_70, %add3A_128 : vector<448x48xi32>
      %convert_element_type3A_130 = arith.extui %eq3A_129 : vector<448x48xi1> to vector<448x48xi32>
      %convert_element_type3A_131 = arith.sitofp %convert_element_type3A_130 : vector<448x48xi32> to vector<448x48xf32>
      %jit3A_132 = arith.constant 16 : i32
      %div3A_133 = vector.broadcast %jit3A_132 : i32 to vector<448x48xi32>
      %div3A_134 = arith.divsi %iota3A_71, %div3A_133 : vector<448x48xi32>
      %sign3A_135 = arith.constant 0 : i32
      %sign3A_136 = vector.broadcast %sign3A_135 : i32 to vector<448x48xi32>
      %sign3A_137 = arith.cmpi sgt, %iota3A_71, %sign3A_136 : vector<448x48xi32>
      %sign3A_138 = arith.extui %sign3A_137 : vector<448x48xi1> to vector<448x48xi32>
      %sign3A_139 = arith.constant 0 : i32
      %sign3A_140 = vector.broadcast %sign3A_139 : i32 to vector<448x48xi32>
      %sign3A_141 = arith.cmpi slt, %iota3A_71, %sign3A_140 : vector<448x48xi32>
      %sign3A_142 = arith.extui %sign3A_141 : vector<448x48xi1> to vector<448x48xi32>
      %sign3A_143 = arith.subi %sign3A_138, %sign3A_142 : vector<448x48xi32>
      %sign3A_144 = arith.constant 0 : i32
      %sign3A_145 = arith.cmpi sgt, %jit3A_132, %sign3A_144 : i32
      %sign3A_146 = arith.extui %sign3A_145 : i1 to i32
      %sign3A_147 = arith.constant 0 : i32
      %sign3A_148 = arith.cmpi slt, %jit3A_132, %sign3A_147 : i32
      %sign3A_149 = arith.extui %sign3A_148 : i1 to i32
      %sign3A_150 = arith.subi %sign3A_146, %sign3A_149 : i32
      %ne3A_151 = vector.broadcast %sign3A_150 : i32 to vector<448x48xi32>
      %ne3A_152 = arith.cmpi ne, %sign3A_143, %ne3A_151 : vector<448x48xi32>
      %rem3A_153 = vector.broadcast %jit3A_132 : i32 to vector<448x48xi32>
      %rem3A_154 = arith.remsi %iota3A_71, %rem3A_153 : vector<448x48xi32>
      %ne3A_155 = arith.constant 0 : i32
      %ne3A_156 = vector.broadcast %ne3A_155 : i32 to vector<448x48xi32>
      %ne3A_157 = arith.cmpi ne, %rem3A_154, %ne3A_156 : vector<448x48xi32>
      %and3A_158 = arith.andi %ne3A_152, %ne3A_157 : vector<448x48xi1>
      %sub3A_159 = arith.constant 1 : i32
      %sub3A_160 = vector.broadcast %sub3A_159 : i32 to vector<448x48xi32>
      %sub3A_161 = arith.subi %div3A_134, %sub3A_160 : vector<448x48xi32>
      %select_n3A_162 = arith.select %and3A_158, %sub3A_161, %div3A_134 : vector<448x48xi1>, vector<448x48xi32>
      %mul3A_163 = arith.constant 32 : i32
      %mul3A_164 = vector.broadcast %mul3A_163 : i32 to vector<448x48xi32>
      %mul3A_165 = arith.muli %select_n3A_162, %mul3A_164 : vector<448x48xi32>
      %add3A_166 = arith.constant 16 : i32
      %add3A_167 = vector.broadcast %add3A_166 : i32 to vector<448x48xi32>
      %add3A_168 = arith.addi %mul3A_165, %add3A_167 : vector<448x48xi32>
      %jit3A_169 = arith.constant 16 : i32
      %eq3A_170 = arith.constant 0 : i32
      %eq3A_171 = arith.cmpi eq, %jit3A_169, %eq3A_170 : i32
      %jit3A_172 = arith.constant 1 : i32
      %select_n3A_173 = arith.select %eq3A_171, %jit3A_172, %jit3A_169 : i32
      %rem3A_174 = vector.broadcast %select_n3A_173 : i32 to vector<448x48xi32>
      %rem3A_175 = arith.remsi %iota3A_71, %rem3A_174 : vector<448x48xi32>
      %ne3A_176 = arith.constant 0 : i32
      %ne3A_177 = vector.broadcast %ne3A_176 : i32 to vector<448x48xi32>
      %ne3A_178 = arith.cmpi ne, %rem3A_175, %ne3A_177 : vector<448x48xi32>
      %lt3A_179 = arith.constant 0 : i32
      %lt3A_180 = vector.broadcast %lt3A_179 : i32 to vector<448x48xi32>
      %lt3A_181 = arith.cmpi slt, %rem3A_175, %lt3A_180 : vector<448x48xi32>
      %lt3A_182 = arith.constant 0 : i32
      %lt3A_183 = arith.cmpi slt, %select_n3A_173, %lt3A_182 : i32
      %ne3A_184 = vector.broadcast %lt3A_183 : i1 to vector<448x48xi1>
      %ne3A_185 = vector.broadcast %ne3A_184 : vector<448x48xi1> to vector<448x48xi1>
      %ne3A_186 = arith.xori %lt3A_181, %ne3A_185 : vector<448x48xi1>
      %and3A_187 = arith.andi %ne3A_186, %ne3A_178 : vector<448x48xi1>
      %add3A_188 = vector.broadcast %select_n3A_173 : i32 to vector<448x48xi32>
      %add3A_189 = arith.addi %rem3A_175, %add3A_188 : vector<448x48xi32>
      %select_n3A_190 = arith.select %and3A_187, %add3A_189, %rem3A_175 : vector<448x48xi1>, vector<448x48xi32>
      %add3A_191 = arith.addi %add3A_168, %select_n3A_190 : vector<448x48xi32>
      %eq3A_192 = arith.cmpi eq, %iota3A_70, %add3A_191 : vector<448x48xi32>
      %convert_element_type3A_193 = arith.extui %eq3A_192 : vector<448x48xi1> to vector<448x48xi32>
      %convert_element_type3A_194 = arith.sitofp %convert_element_type3A_193 : vector<448x48xi32> to vector<448x48xf32>
      %dot_general3A_195 = arith.constant dense<0.000000e+00> : vector<448x16xf32>
      %dot_general3A_196 = tpu.matmul %convert_element_type3A_131, %get3A_16, %dot_general3A_195 {dimension_numbers = #tpu.dot_dimension_numbers<[1], [1], [0], [0], [0, 0, 1, 0], [], []>, transpose_lhs_hint = false} : vector<448x48xf32>, vector<16x48xf32>, vector<448x16xf32> -> vector<448x16xf32>
      %dot_general3A_197 = arith.constant dense<0.000000e+00> : vector<448x16xf32>
      %dot_general3A_198 = tpu.matmul %convert_element_type3A_194, %dot_general3A_69, %dot_general3A_197 {dimension_numbers = #tpu.dot_dimension_numbers<[1], [1], [0], [0], [0, 0, 1, 0], [], []>, transpose_lhs_hint = false} : vector<448x48xf32>, vector<16x48xf32>, vector<448x16xf32> -> vector<448x16xf32>
      %iota3A_199 = tpu.iota {dimensions = array<i32: 0>} : vector<448x16xi32>
      %iota3A_200 = tpu.iota {dimensions = array<i32: 1>} : vector<448x16xi32>
      %lt3A_201 = arith.constant 4 : i32
      %lt3A_202 = vector.broadcast %lt3A_201 : i32 to vector<448x16xi32>
      %lt3A_203 = arith.cmpi slt, %iota3A_200, %lt3A_202 : vector<448x16xi32>
      %jit3A_204 = arith.constant 2 : i32
      %jit3A_205 = arith.constant 3 : i32
      %broadcast_in_dim3A = vector.broadcast %jit3A_204 : i32 to vector<448x16xi32>
      %broadcast_in_dim3A_206 = vector.broadcast %jit3A_205 : i32 to vector<448x16xi32>
      %select_n3A_207 = arith.select %lt3A_203, %broadcast_in_dim3A, %broadcast_in_dim3A_206 : vector<448x16xi1>, vector<448x16xi32>
      %jit3A_208 = arith.constant 4 : i32
      %eq3A_209 = arith.constant 0 : i32
      %eq3A_210 = arith.cmpi eq, %jit3A_208, %eq3A_209 : i32
      %jit3A_211 = arith.constant 1 : i32
      %select_n3A_212 = arith.select %eq3A_210, %jit3A_211, %jit3A_208 : i32
      %rem3A_213 = vector.broadcast %select_n3A_212 : i32 to vector<448x16xi32>
      %rem3A_214 = arith.remsi %iota3A_200, %rem3A_213 : vector<448x16xi32>
      %ne3A_215 = arith.constant 0 : i32
      %ne3A_216 = vector.broadcast %ne3A_215 : i32 to vector<448x16xi32>
      %ne3A_217 = arith.cmpi ne, %rem3A_214, %ne3A_216 : vector<448x16xi32>
      %lt3A_218 = arith.constant 0 : i32
      %lt3A_219 = vector.broadcast %lt3A_218 : i32 to vector<448x16xi32>
      %lt3A_220 = arith.cmpi slt, %rem3A_214, %lt3A_219 : vector<448x16xi32>
      %lt3A_221 = arith.constant 0 : i32
      %lt3A_222 = arith.cmpi slt, %select_n3A_212, %lt3A_221 : i32
      %ne3A_223 = vector.broadcast %lt3A_222 : i1 to vector<448x16xi1>
      %ne3A_224 = vector.broadcast %ne3A_223 : vector<448x16xi1> to vector<448x16xi1>
      %ne3A_225 = arith.xori %lt3A_220, %ne3A_224 : vector<448x16xi1>
      %and3A_226 = arith.andi %ne3A_225, %ne3A_217 : vector<448x16xi1>
      %add3A_227 = vector.broadcast %select_n3A_212 : i32 to vector<448x16xi32>
      %add3A_228 = arith.addi %rem3A_214, %add3A_227 : vector<448x16xi32>
      %select_n3A_229 = arith.select %and3A_226, %add3A_228, %rem3A_214 : vector<448x16xi1>, vector<448x16xi32>
      %eq3A_230 = arith.constant 0 : i32
      %eq3A_231 = vector.broadcast %eq3A_230 : i32 to vector<448x16xi32>
      %eq3A_232 = arith.cmpi eq, %select_n3A_229, %eq3A_231 : vector<448x16xi32>
      %jit3A_233 = arith.constant 2 : i32
      %jit3A_234 = arith.constant 3 : i32
      %broadcast_in_dim3A_235 = vector.broadcast %jit3A_233 : i32 to vector<448x16xi32>
      %broadcast_in_dim3A_236 = vector.broadcast %jit3A_234 : i32 to vector<448x16xi32>
      %select_n3A_237 = arith.select %eq3A_232, %broadcast_in_dim3A_235, %broadcast_in_dim3A_236 : vector<448x16xi1>, vector<448x16xi32>
      %jit3A_238 = arith.constant 32 : i32
      %eq3A_239 = arith.constant 0 : i32
      %eq3A_240 = arith.cmpi eq, %jit3A_238, %eq3A_239 : i32
      %jit3A_241 = arith.constant 1 : i32
      %select_n3A_242 = arith.select %eq3A_240, %jit3A_241, %jit3A_238 : i32
      %rem3A_243 = vector.broadcast %select_n3A_242 : i32 to vector<448x16xi32>
      %rem3A_244 = arith.remsi %iota3A_199, %rem3A_243 : vector<448x16xi32>
      %ne3A_245 = arith.constant 0 : i32
      %ne3A_246 = vector.broadcast %ne3A_245 : i32 to vector<448x16xi32>
      %ne3A_247 = arith.cmpi ne, %rem3A_244, %ne3A_246 : vector<448x16xi32>
      %lt3A_248 = arith.constant 0 : i32
      %lt3A_249 = vector.broadcast %lt3A_248 : i32 to vector<448x16xi32>
      %lt3A_250 = arith.cmpi slt, %rem3A_244, %lt3A_249 : vector<448x16xi32>
      %lt3A_251 = arith.constant 0 : i32
      %lt3A_252 = arith.cmpi slt, %select_n3A_242, %lt3A_251 : i32
      %ne3A_253 = vector.broadcast %lt3A_252 : i1 to vector<448x16xi1>
      %ne3A_254 = vector.broadcast %ne3A_253 : vector<448x16xi1> to vector<448x16xi1>
      %ne3A_255 = arith.xori %lt3A_250, %ne3A_254 : vector<448x16xi1>
      %and3A_256 = arith.andi %ne3A_255, %ne3A_247 : vector<448x16xi1>
      %add3A_257 = vector.broadcast %select_n3A_242 : i32 to vector<448x16xi32>
      %add3A_258 = arith.addi %rem3A_244, %add3A_257 : vector<448x16xi32>
      %select_n3A_259 = arith.select %and3A_256, %add3A_258, %rem3A_244 : vector<448x16xi1>, vector<448x16xi32>
      %lt3A_260 = arith.constant 16 : i32
      %lt3A_261 = vector.broadcast %lt3A_260 : i32 to vector<448x16xi32>
      %lt3A_262 = arith.cmpi slt, %select_n3A_259, %lt3A_261 : vector<448x16xi32>
      %jit3A_263 = arith.constant 32 : i32
      %div3A_264 = vector.broadcast %jit3A_263 : i32 to vector<448x16xi32>
      %div3A_265 = arith.divsi %iota3A_199, %div3A_264 : vector<448x16xi32>
      %sign3A_266 = arith.constant 0 : i32
      %sign3A_267 = vector.broadcast %sign3A_266 : i32 to vector<448x16xi32>
      %sign3A_268 = arith.cmpi sgt, %iota3A_199, %sign3A_267 : vector<448x16xi32>
      %sign3A_269 = arith.extui %sign3A_268 : vector<448x16xi1> to vector<448x16xi32>
      %sign3A_270 = arith.constant 0 : i32
      %sign3A_271 = vector.broadcast %sign3A_270 : i32 to vector<448x16xi32>
      %sign3A_272 = arith.cmpi slt, %iota3A_199, %sign3A_271 : vector<448x16xi32>
      %sign3A_273 = arith.extui %sign3A_272 : vector<448x16xi1> to vector<448x16xi32>
      %sign3A_274 = arith.subi %sign3A_269, %sign3A_273 : vector<448x16xi32>
      %sign3A_275 = arith.constant 0 : i32
      %sign3A_276 = arith.cmpi sgt, %jit3A_263, %sign3A_275 : i32
      %sign3A_277 = arith.extui %sign3A_276 : i1 to i32
      %sign3A_278 = arith.constant 0 : i32
      %sign3A_279 = arith.cmpi slt, %jit3A_263, %sign3A_278 : i32
      %sign3A_280 = arith.extui %sign3A_279 : i1 to i32
      %sign3A_281 = arith.subi %sign3A_277, %sign3A_280 : i32
      %ne3A_282 = vector.broadcast %sign3A_281 : i32 to vector<448x16xi32>
      %ne3A_283 = arith.cmpi ne, %sign3A_274, %ne3A_282 : vector<448x16xi32>
      %rem3A_284 = vector.broadcast %jit3A_263 : i32 to vector<448x16xi32>
      %rem3A_285 = arith.remsi %iota3A_199, %rem3A_284 : vector<448x16xi32>
      %ne3A_286 = arith.constant 0 : i32
      %ne3A_287 = vector.broadcast %ne3A_286 : i32 to vector<448x16xi32>
      %ne3A_288 = arith.cmpi ne, %rem3A_285, %ne3A_287 : vector<448x16xi32>
      %and3A_289 = arith.andi %ne3A_283, %ne3A_288 : vector<448x16xi1>
      %sub3A_290 = arith.constant 1 : i32
      %sub3A_291 = vector.broadcast %sub3A_290 : i32 to vector<448x16xi32>
      %sub3A_292 = arith.subi %div3A_265, %sub3A_291 : vector<448x16xi32>
      %select_n3A_293 = arith.select %and3A_289, %sub3A_292, %div3A_265 : vector<448x16xi1>, vector<448x16xi32>
      %lt3A_294 = arith.cmpi slt, %select_n3A_293, %select_n3A_207 : vector<448x16xi32>
      %and3A_295 = arith.andi %lt3A_262, %lt3A_294 : vector<448x16xi1>
      %jit3A_296 = arith.constant 32 : i32
      %eq3A_297 = arith.constant 0 : i32
      %eq3A_298 = arith.cmpi eq, %jit3A_296, %eq3A_297 : i32
      %jit3A_299 = arith.constant 1 : i32
      %select_n3A_300 = arith.select %eq3A_298, %jit3A_299, %jit3A_296 : i32
      %rem3A_301 = vector.broadcast %select_n3A_300 : i32 to vector<448x16xi32>
      %rem3A_302 = arith.remsi %iota3A_199, %rem3A_301 : vector<448x16xi32>
      %ne3A_303 = arith.constant 0 : i32
      %ne3A_304 = vector.broadcast %ne3A_303 : i32 to vector<448x16xi32>
      %ne3A_305 = arith.cmpi ne, %rem3A_302, %ne3A_304 : vector<448x16xi32>
      %lt3A_306 = arith.constant 0 : i32
      %lt3A_307 = vector.broadcast %lt3A_306 : i32 to vector<448x16xi32>
      %lt3A_308 = arith.cmpi slt, %rem3A_302, %lt3A_307 : vector<448x16xi32>
      %lt3A_309 = arith.constant 0 : i32
      %lt3A_310 = arith.cmpi slt, %select_n3A_300, %lt3A_309 : i32
      %ne3A_311 = vector.broadcast %lt3A_310 : i1 to vector<448x16xi1>
      %ne3A_312 = vector.broadcast %ne3A_311 : vector<448x16xi1> to vector<448x16xi1>
      %ne3A_313 = arith.xori %lt3A_308, %ne3A_312 : vector<448x16xi1>
      %and3A_314 = arith.andi %ne3A_313, %ne3A_305 : vector<448x16xi1>
      %add3A_315 = vector.broadcast %select_n3A_300 : i32 to vector<448x16xi32>
      %add3A_316 = arith.addi %rem3A_302, %add3A_315 : vector<448x16xi32>
      %select_n3A_317 = arith.select %and3A_314, %add3A_316, %rem3A_302 : vector<448x16xi1>, vector<448x16xi32>
      %ge3A = arith.constant 16 : i32
      %ge3A_318 = vector.broadcast %ge3A : i32 to vector<448x16xi32>
      %ge3A_319 = arith.cmpi sge, %select_n3A_317, %ge3A_318 : vector<448x16xi32>
      %jit3A_320 = arith.constant 32 : i32
      %div3A_321 = vector.broadcast %jit3A_320 : i32 to vector<448x16xi32>
      %div3A_322 = arith.divsi %iota3A_199, %div3A_321 : vector<448x16xi32>
      %sign3A_323 = arith.constant 0 : i32
      %sign3A_324 = vector.broadcast %sign3A_323 : i32 to vector<448x16xi32>
      %sign3A_325 = arith.cmpi sgt, %iota3A_199, %sign3A_324 : vector<448x16xi32>
      %sign3A_326 = arith.extui %sign3A_325 : vector<448x16xi1> to vector<448x16xi32>
      %sign3A_327 = arith.constant 0 : i32
      %sign3A_328 = vector.broadcast %sign3A_327 : i32 to vector<448x16xi32>
      %sign3A_329 = arith.cmpi slt, %iota3A_199, %sign3A_328 : vector<448x16xi32>
      %sign3A_330 = arith.extui %sign3A_329 : vector<448x16xi1> to vector<448x16xi32>
      %sign3A_331 = arith.subi %sign3A_326, %sign3A_330 : vector<448x16xi32>
      %sign3A_332 = arith.constant 0 : i32
      %sign3A_333 = arith.cmpi sgt, %jit3A_320, %sign3A_332 : i32
      %sign3A_334 = arith.extui %sign3A_333 : i1 to i32
      %sign3A_335 = arith.constant 0 : i32
      %sign3A_336 = arith.cmpi slt, %jit3A_320, %sign3A_335 : i32
      %sign3A_337 = arith.extui %sign3A_336 : i1 to i32
      %sign3A_338 = arith.subi %sign3A_334, %sign3A_337 : i32
      %ne3A_339 = vector.broadcast %sign3A_338 : i32 to vector<448x16xi32>
      %ne3A_340 = arith.cmpi ne, %sign3A_331, %ne3A_339 : vector<448x16xi32>
      %rem3A_341 = vector.broadcast %jit3A_320 : i32 to vector<448x16xi32>
      %rem3A_342 = arith.remsi %iota3A_199, %rem3A_341 : vector<448x16xi32>
      %ne3A_343 = arith.constant 0 : i32
      %ne3A_344 = vector.broadcast %ne3A_343 : i32 to vector<448x16xi32>
      %ne3A_345 = arith.cmpi ne, %rem3A_342, %ne3A_344 : vector<448x16xi32>
      %and3A_346 = arith.andi %ne3A_340, %ne3A_345 : vector<448x16xi1>
      %sub3A_347 = arith.constant 1 : i32
      %sub3A_348 = vector.broadcast %sub3A_347 : i32 to vector<448x16xi32>
      %sub3A_349 = arith.subi %div3A_322, %sub3A_348 : vector<448x16xi32>
      %select_n3A_350 = arith.select %and3A_346, %sub3A_349, %div3A_322 : vector<448x16xi1>, vector<448x16xi32>
      %lt3A_351 = arith.cmpi slt, %select_n3A_350, %select_n3A_237 : vector<448x16xi32>
      %and3A_352 = arith.andi %ge3A_319, %lt3A_351 : vector<448x16xi1>
      %jit3A_353 = arith.constant 0.000000e+00 : f32
      %broadcast_in_dim3A_354 = vector.broadcast %jit3A_353 : f32 to vector<448x16xf32>
      %select_n3A_355 = arith.select %and3A_295, %dot_general3A_196, %broadcast_in_dim3A_354 : vector<448x16xi1>, vector<448x16xf32>
      %jit3A_356 = arith.constant 0.000000e+00 : f32
      %broadcast_in_dim3A_357 = vector.broadcast %jit3A_356 : f32 to vector<448x16xf32>
      %select_n3A_358 = arith.select %and3A_352, %dot_general3A_198, %broadcast_in_dim3A_357 : vector<448x16xi1>, vector<448x16xf32>
      %add3A_359 = arith.addf %select_n3A_355, %select_n3A_358 : vector<448x16xf32>
      %swap3A_360 = arith.constant 0 : index
      %swap3A_361 = arith.constant 0 : index
      %swap3A_362 = vector.load %arg4[%swap3A_360, %swap3A_361] : memref<448x16xf32, #tpu.memory_space<vmem>>, vector<448x16xf32>
      tpu.vector_store %arg4[%swap3A_360, %swap3A_361], %add3A_359 {strides = array<i32>} : memref<448x16xf32, #tpu.memory_space<vmem>>, vector<448x16xf32>,
    } else {
    }
    %iota3A = tpu.iota {dimensions = array<i32: 0>} : vector<16x16000xi32>
    %get3A = arith.constant 0 : index
    %get3A_2 = arith.constant 0 : index
    %get3A_3 = vector.load %arg1[%get3A, %get3A_2] : memref<1x16000xi32, #tpu.memory_space<vmem>>, vector<1x16000xi32>
    %eq3A_4 = vector.broadcast %get3A_3 : vector<1x16000xi32> to vector<16x16000xi32>
    %eq3A_5 = arith.cmpi eq, %eq3A_4, %iota3A : vector<16x16000xi32>
    %convert_element_type3A_6 = arith.extui %eq3A_5 : vector<16x16000xi1> to vector<16x16000xi32>
    %convert_element_type3A_7 = arith.sitofp %convert_element_type3A_6 : vector<16x16000xi32> to vector<16x16000xf32>
    %get3A_8 = arith.constant 0 : index
    %get3A_9 = arith.constant 0 : index
    %get3A_10 = vector.load %arg4[%get3A_8, %get3A_9] : memref<448x16xf32, #tpu.memory_space<vmem>>, vector<448x16xf32>
    %dot_general3A = arith.constant dense<0.000000e+00> : vector<448x16000xf32>
    %dot_general3A_11 = tpu.matmul %get3A_10, %convert_element_type3A_7, %dot_general3A {dimension_numbers = #tpu.dot_dimension_numbers<[1], [0], [0], [1], [0, 0, 1, 1], [], []>, transpose_lhs_hint = false} : vector<448x16xf32>, vector<16x16000xf32>, vector<448x16000xf32> -> vector<448x16000xf32>
    %swap3A = arith.constant 0 : index
    %swap3A_12 = arith.constant 0 : index
    %swap3A_13 = vector.load %arg3[%swap3A, %swap3A_12] : memref<448x16000xf32, #tpu.memory_space<vmem>>, vector<448x16000xf32>
    tpu.vector_store %arg3[%swap3A, %swap3A_12], %dot_general3A_11 {strides = array<i32>} : memref<448x16000xf32, #tpu.memory_space<vmem>>, vector<448x16000xf32>,
    return
  }
  func.func @transform_0(%arg0: i32) -> (i32, i32) {
    %c0_i32 = arith.constant 0 : i32
    %c0_i32_0 = arith.constant 0 : i32
    return %c0_i32, %arg0 : i32, i32
  }
  func.func @transform_1(%arg0: i32) -> (i32, i32) {
    %c0_i32 = arith.constant 0 : i32
    %c0_i32_0 = arith.constant 0 : i32
    %c0_i32_1 = arith.constant 0 : i32
    return %c0_i32, %c0_i32_0 : i32, i32
  }
  func.func @transform_2(%arg0: i32) -> (i32, i32) {
    %c0_i32 = arith.constant 0 : i32
    %c0_i32_0 = arith.constant 0 : i32
    return %c0_i32, %arg0 : i32, i32
  }
}

</mosaic_0001>

<sc_bundles>
// kernel: kernel.4.cloned.1.call-start
scs
__scs_entry_jumppad:
0x0: {  	(pc) =	sbr.rel $0x88, $3  }
0x1: {  	(tag) =	ssettag $0x0;
	lr =	simm.s32 $0x1  }
0x2: {  	[smem:$0x3F9E] =	sst lr;
	_ =	strace $0xD0000000  }
0x3: {  	_ = 	snop  }
0x4: {  	_ = 	snop  }
0x5: {  	_ = 	snop  }
0x6: {  	_ = 	snop  }
0x7: {  	_ = 	snop  }
__scs_overlays_trampoline_lowered:
0x8: {  	[smem:$0x3FAD] =	sst s0  }
0x9: {  	[smem:$0x3FAE] =	sst s1  }
0xa: {  	[smem:$0x3FAF] =	sst s2  }
0xb: {  	[smem:$0x3FB0] =	sst s3  }
0xc: {  	[smem:$0x3FB1] =	sst s4  }
0xd: {  	[smem:$0x3FB2] =	sst s5  }
0xe: {  	[smem:$0x3FB3] =	sst s6  }
0xf: {  	[smem:$0x3FB4] =	sst s7  }
0x10: {  	[smem:$0x3FB5] =	sst s8  }
0x11: {  	[smem:$0x3FB6] =	sst s9;
	s0 =	simm.s32 @!p0 $0x0  }
0x12: {  	s1 =	sld [smem:$0x3F9C];
	s0 =	simm.s32 @p0 $0x1  }
0x13: {  	[smem:$0x3FB7] =	sst s0;
	s0 =	simm.s32 @!p1 $0x0  }
0x14: {  	s2 =	sld [smem:$0x3F9B];
	s0 =	simm.s32 @p1 $0x1  }
0x15: {  	[smem:$0x3FB8] =	sst s0;
	s0 =	simm.s32 @!p2 $0x0  }
0x16: {  	s3 =	sld [smem:$0x3FDB];
	s0 =	simm.s32 @p2 $0x1  }
0x17: {  	s4 =	simm.s32 $0x1BF5;
	[smem:$0x3FBA] =	sst s0  }
0x18: {  	s0 =	sld [smem:$0x3F9D];
	_ =	swait.ge [sflag:s4], $0x0  }
0x19: {  	s7 =	sld [smem:$0x3F9E]  }
0x1a: {  	s8 =	sadd.s32 $0xFFFFE003, lr  }
0x1b: {  	s9 =	sadd.s32 $0xFFFFFEF7, lr;
	s5 =	simm.s32 $0xFFFFFFFF;
	p2 =	slt.u32 s8, $0xFFFFF086  }
0x1c: {  	p1 =	slt.u32 s9, $0xF7A;
	s5 =	simm.s32 @!p2 $0x0  }
0x1d: {  	s5 =	simm.s32 @p1 $0x1;
	p0 =	seq.s32 s7, s2  }
0x1e: {  	s7 =	smul.u32 @!p0 $0xF7A, s2;
	p2 =	seq.s32 @!p0 s5, $0x0  }
0x1f: {  	s9 =	smul.u32 $0xF7A, s1;
	s8 =	simm.s32 @!p0 $0x1BF5;
	p2 =	por !p2, p0  }
0x20: {  	[sflag:s8] =	ssyncset.s32 @!p0 $0xFFFFF086;
	s6 =	sadd.s32 @!p0 s3, s7;
	s7 =	simm.s32 @!p0 $0x108  }
0x21: {  	s3 =	sadd.s32 s3, s9;
	s6 =	sadd.s32 @!p0 $0x88, s6;
	s7 =	simm.s32 @p2 $0x1082  }
0x22: {  	[simem:s7], [sflag:s8] =	dma.local @!p0 [hbm:s6], $0xF7A  }
0x23: {  	s9 =	sor.u32 $0xD0000000, s2;
	s6 =	simm.s32 $0x108;
	_ =	swait.ge @!p0 [sflag:s8], $0x0  }
0x24: {  	s3 =	sadd.s32 $0x88, s3;
	s6 =	simm.s32 @!p1 $0x1082;
	[sflag:s4] =	ssyncset.s32 $0xFFFFF086  }
0x25: {  	[simem:s6], [sflag:s4] =	dma.local [hbm:s3], $0xF7A  }
0x26: {  	[smem:$0x3F9E] =	sst s1;
	(tag) =	ssettag s2;
	_ =	strace s9  }
0x27: {  	s1 =	sld [smem:$0x3FAE]  }
0x28: {  	s2 =	sld [smem:$0x3FAF]  }
0x29: {  	s4 =	sld [smem:$0x3FB1]  }
0x2a: {  	p0 =	seq.s32 s5, $0x0;
	s5 =	sld [smem:$0x3FB2]  }
0x2b: {  	s6 =	sld [smem:$0x3FB3]  }
0x2c: {  	s7 =	sld [smem:$0x3FB4]  }
0x2d: {  	s3 =	simm.s32 $0x108;
	s8 =	sld [smem:$0x3FB5]  }
0x2e: {  	s3 =	simm.s32 @!p0 $0x1082;
	s9 =	sld [smem:$0x3FB6]  }
0x2f: {  	lr =	sadd.s32 s0, s3;
	s0 =	sld [smem:$0x3FAD]  }
0x30: {  	s3 =	sld [smem:$0x3FB0]  }
0x31: {  	[smem:$0x3FB9] =	sst s10  }
0x32: {  	s10 =	sld [smem:$0x3FB7];
	_ =	sdelay $0x3  }
0x33: {  	p0 =	seq.s32 s10, $0x1;
	s10 =	sld [smem:$0x3FB9];
	_ =	sdelay $0x3  }
0x34: {  	[smem:$0x3FB9] =	sst s10  }
0x35: {  	s10 =	sld [smem:$0x3FB8];
	_ =	sdelay $0x3  }
0x36: {  	p1 =	seq.s32 s10, $0x1;
	s10 =	sld [smem:$0x3FB9];
	_ =	sdelay $0x3  }
0x37: {  	[smem:$0x3FB9] =	sst s10  }
0x38: {  	s10 =	sld [smem:$0x3FBA]  }
0x39: {  	_ = 	snop;
	(pc) =	sbr.ind lr, $3  }
0x3a: {  	_ = 	snop  }
0x3b: {  	_ = 	snop  }
0x3c: {  	p2 =	seq.s32 s10, $0x1;
	s10 =	sld [smem:$0x3FB9]  }
0x3d: {  	_ =	shalt  }
0x3e: {  	_ =	shalt  }
0x3f: {  	_ =	shalt  }
0x40: {  	_ =	shalt  }
0x41: {  	_ =	shalt  }
0x42: {  	_ =	shalt  }
0x43: {  	_ =	shalt  }
0x44: {  	_ =	shalt  }
0x45: {  	_ =	shalt  }
0x46: {  	_ =	shalt  }
0x47: {  	_ =	shalt  }
0x48: {  	_ =	shalt  }
0x49: {  	_ =	shalt  }
0x4a: {  	_ =	shalt  }
0x4b: {  	_ =	shalt  }
0x4c: {  	_ =	shalt  }
0x4d: {  	_ =	shalt  }
0x4e: {  	_ =	shalt  }
0x4f: {  	_ =	shalt  }
0x50: {  	_ =	shalt  }
0x51: {  	_ =	shalt  }
0x52: {  	_ =	shalt  }
0x53: {  	_ =	shalt  }
0x54: {  	_ =	shalt  }
0x55: {  	_ =	shalt  }
0x56: {  	_ =	shalt  }
0x57: {  	_ =	shalt  }
0x58: {  	_ =	shalt  }
0x59: {  	_ =	shalt  }
0x5a: {  	_ =	shalt  }
0x5b: {  	_ =	shalt  }
0x5c: {  	_ =	shalt  }
0x5d: {  	_ =	shalt  }
0x5e: {  	_ =	shalt  }
0x5f: {  	_ =	shalt  }
0x60: {  	_ =	shalt  }
0x61: {  	_ =	shalt  }
0x62: {  	_ =	shalt  }
0x63: {  	_ =	shalt  }
0x64: {  	_ =	shalt  }
0x65: {  	_ =	shalt  }
0x66: {  	_ =	shalt  }
0x67: {  	_ =	shalt  }
0x68: {  	_ =	shalt  }
0x69: {  	_ =	shalt  }
0x6a: {  	_ =	shalt  }
0x6b: {  	_ =	shalt  }
0x6c: {  	_ =	shalt  }
0x6d: {  	_ =	shalt  }
0x6e: {  	_ =	shalt  }
0x6f: {  	_ =	shalt  }
0x70: {  	_ =	shalt  }
0x71: {  	_ =	shalt  }
0x72: {  	_ =	shalt  }
0x73: {  	_ =	shalt  }
0x74: {  	_ =	shalt  }
0x75: {  	_ =	shalt  }
0x76: {  	_ =	shalt  }
0x77: {  	_ =	shalt  }
0x78: {  	_ =	shalt  }
0x79: {  	_ =	shalt  }
0x7a: {  	_ =	shalt  }
0x7b: {  	_ =	shalt  }
0x7c: {  	_ =	shalt  }
0x7d: {  	_ =	shalt  }
0x7e: {  	_ =	shalt  }
0x7f: {  	_ =	shalt  }
0x80: {  	_ =	shalt  }
0x81: {  	_ =	shalt  }
0x82: {  	_ =	shalt  }
0x83: {  	_ =	shalt  }
0x84: {  	_ =	shalt  }
0x85: {  	_ =	shalt  }
0x86: {  	_ =	shalt  }
0x87: {  	_ =	shalt  }
.Lfunc_end0:
.L_simem_size_0:
called_computation_lowered:
.L_overlay_start_0:
0x88: {  	s2 =	sld [smem:$0x3FD9]  }
0x89: {  	s3 =	sld [smem:$0x3FFE];
	_ =	sdelay $0x1  }
0x8a: {  	s1 =	srdreg.scid  }
0x8b: {  	s0 =	sand.u32 $0x1, s1  }
0x8c: {  	s14 =	sshll.u32 s0, $0xA;
	s2 =	sadd.s32 s3, s2  }
0x8d: {  	s2 =	sadd.s32 s2, s14  }
0x8e: {  	[smem:$0x3FC5] =	sst s2  }
0x8f: {  	_ = 	snop  }
0x90: {  	s2 =	sld [smem:$0x3FD0];
	_ =	sdelay $0x1  }
0x91: {  	s15 =	sld [smem:$0x3FC9]  }
0x92: {  	s5 =	simm.s32 $0xA;
	s6 =	simm.s32 $0x10;
	s4 =	sld [smem:$0x3FC8]  }
0x93: {  	[smem:s6], [sflag:s5] =	dma.local [hbm:s2], $0x1  }
0x94: {  	_ =	swait.eq [sflag:s5], $0x1  }
0x95: {  	[sflag:s5] =	ssyncset.done $0x0  }
0x96: {  	[sflag:s5] =	ssyncadd.s32 $0xFFFFFFFF  }
0x97: {  	s16 =	sld [smem:$0x11];
	(tm) =	ssettm $0x1  }
0x98: {  	s17 =	sld [smem:$0x3FFB];
	_ =	sdelay $0x3  }
0x99: {  	_ =	strace s17  }
0x9a: {  	s5 =	sld [smem:$0x3FFC];
	_ =	sdelay $0x3  }
0x9b: {  	_ =	strace s5  }
0x9c: {  	s5 =	sld [smem:$0x3FFD];
	_ =	sdelay $0x3  }
0x9d: {  	_ =	strace s5  }
0x9e: {  	_ =	strace $0x8FFFFFFF  }
0x9f: {  	s18 =	sld [smem:$0x3FDB];
	_ =	sdelay $0x1  }
0xa0: {  	s19 =	simm.s32 $_scs_section_size  }
0xa1: {  	s7 =	simm.s32 $_size__tile_overlayer_lowered;
	s8 =	simm.s32 $_tile_overlayer_lowered  }
0xa2: {  	s22 =	simm.s32 $0x1BFF;
	s21 =	sshll.u32 s8, $0x1;
	s5 =	sadd.s32 s19, s18  }
0xa3: {  	s9 =	simm.s32 $0x0;
	s20 =	sshll.u32 s7, $0x1;
	s7 =	sadd.s32 s21, s5  }
0xa4: {  	[timem:s9], [sflag:s22] =	dma.local [hbm:s7], s20  }
0xa5: {  	_ =	swait.ge [sflag:s22], s20  }
0xa6: {  	s6 =	ssub.s32 $0x0, s20;
	[sflag:s22] =	ssyncset.done $0x0  }
0xa7: {  	[sflag:s22] =	ssyncadd.s32 s6;
	_ =	sdelay $0x1  }
0xa8: {  	s23 =	simm.s32 $0x1B8B  }
0xa9: {  	_ =	swait.ge [sflag:s23], $0x1  }
0xaa: {  	[sflag:s23] =	ssyncset.done $0x0  }
0xab: {  	s25 =	simm.s32 $0x1B8E;
	s24 =	sld [smem:$0x3FFE];
	[sflag:s23] =	ssyncadd.s32 $0xFFFFFFFF  }
0xac: {  	s26 =	simm.s32 $execute0_lowered;
	[smem:$0x3FD2] =	sst s25  }
0xad: {  	s7 =	sshll.u32 s26, $0x1;
	_ =	strace $0x80000046;
	[dreg:$0x1] =	wrdreg $0xFFFFFFFF  }
0xae: {  	s28 =	simm.s32 $_size_execute0_lowered;
	s5 =	sadd.s32 s5, s7;
	[dreg:$0x0] =	wrdreg $0x0  }
0xaf: {  	s7 =	sshll.u32 s28, $0x1;
	[dreg:$0x2] =	wrdreg s5  }
0xb0: {  	[dreg:$0x3] =	wrdreg s7  }
0xb1: {  	[dreg:$0x4] =	wrdreg $0xC0  }
0xb2: {  	_ =	task [dreg:s9], $0x5FFFF  }
0xb3: {  	[dreg:$0x1] =	wrdreg $0xFFFFFFFF  }
0xb4: {  	[dreg:$0x0] =	wrdreg $0x60  }
0xb5: {  	[dreg:$0x2] =	wrdreg s4  }
0xb6: {  	[dreg:$0x3] =	wrdreg s15  }
0xb7: {  	[dreg:$0x4] =	wrdreg s24  }
0xb8: {  	[dreg:$0x5] =	wrdreg s16  }
0xb9: {  	[dreg:$0x6] =	wrdreg $0x9  }
0xba: {  	_ =	task.clear_ibuf [dreg:s9], $0x7FFFF;
	_ =	strace $0x90000046  }
0xbb: {  	s29 =	simm.s32 $0x9;
	_ =	strace $0x80000048  }
0xbc: {  	_ =	swait.ge [sflag:s29], $0x1  }
0xbd: {  	[sflag:s29] =	ssyncadd.s32 $0xFFFFFFFF  }
0xbe: {  	_ =	strace $0x90000048  }
0xbf: {  	_ =	sfence  }
0xc0: {  	s30 =	sld [smem:$0x0];
	_ =	sdelay $0x2  }
0xc1: {  	s31 =	sshll.u32 s1, $0xD;
	s1 =	sshrl.u32 s1, $0x2  }
0xc2: {  	s3 =	sand.u32 $0x4000, s31;
	s1 =	sadd.s32 s1, s30  }
0xc3: {  	s0 =	sor.u32 s3, s0;
	s1 =	sshll.u32 s1, $0x11  }
0xc4: {  	s0 =	sor.u32 s1, s0  }
0xc5: {  	s0 =	sadd.s32 $0x8F2B, s0  }
0xc6: {  	[sflag:s0] =	ssyncadd.remote.s32 $0x1  }
0xc7: {  	_ =	sfence.sel $0xFFFF  }
0xc8: {  	[dreg:$0x0] =	wrdreg $0xFFFFFFFF;
	(pc) =	sbr.abs _section_cstart, $3  }
0xc9: {  	[dreg:$0x1] =	wrdreg $0xFFFFFFFF  }
0xca: {  	_ =	task.clear_ibuf [dreg:s9], $0x2FFFF;
	_ =	strace $0x9FFFFFFF  }
0xcb: {  	(tm) =	ssettm $0x7FFFFFFF  }
tec
execute0_lowered:
.L_overlay_start_1:
0x0: {  	(tag) =	ssettag $0x1  }
0x1: {  	s4 =	rddreg [dreg:$0x0]  }
0x2: {  	s1 =	rddreg [dreg:$0x1]  }
0x3: {  	s3 =	rddreg [dreg:$0x2]  }
0x4: {  	s8 =	rddreg [dreg:$0x3]  }
0x5: {  	s0 =	rddreg [dreg:$0x4];
	s2 =	simm.s32 $0x0;
	s5 =	srdreg.scid  }
0x6: {  	s12 =	stileid.u32;
	s14 =	simm.s32 $0x0;
	[smem:$0x7FF] =	sst s2  }
0x7: {  	s5 =	sand.u32 $0x1, s5;
	s6 =	sshll.u32 s12, $0x1;
	s7 =	sadd.s32 $0x800, s3  }
0x8: {  	p0 =	sne.s32 s12, $0x0;
	p1 =	seq.s32 s12, $0x0;
	s12 =	simm.s32 $0x4F80  }
0x9: {  	_ =	strace $0x80000047;
	s6 =	sor.u32 s5, s6;
	s30 =	ssub.s32 $0x2, s5  }
0xa: {  	s31 =	sshll.u32 s6, $0x7;
	s9 =	sshrl.u32 s30, $0x1;
	s10 =	smul.u32 $0x4E0, s6  }
0xb: {  	s6 =	smul.u32 $0x270, s6;
	s5 =	sor.u32 $0x27000, s31;
	s9 =	ssub.s32 s30, s9  }
0xc: {  	s11 =	sshrl.u32 s5, $0x2;
	s3 =	sadd.s32 s4, s10;
	s13 =	sshrl.u32 s5, $0x3  }
0xd: {  	s5 =	sadd.s32 s8, s10;
	s6 =	sadd.s32 s7, s6;
	s9 =	smax.u32 s9, $0x1  }
0xe: {  	s10 =	simm.s32 $0x2800;
	s4 =	sadd.s32 s4, s11;
	s7 =	sadd.s32 s7, s13  }
0xf: {  	s8 =	sadd.s32 s8, s11;
	s11 =	simm.s32 $0x1;
	s13 =	simm.s32 $0x2  }
.LBB2_1:
0x10: {  	[tilespmem:s10], [sflag:$0x1] =	stream.linear.gather [hbm4b:s1+s2], $0x2780, $0x38;
	[tilespmem:$0x6380] =	vst v63  }
0x11: {  	_ = 	snop  }
0x12: {  	[tilespmem:s2], [sflag:$0x1] =	stream.linear.gather [hbm4b:s3+s2], $0x2700, $0x38;
	[tilespmem:$0x6380] =	vst v63  }
0x13: {  	s15 =	simm.s32 @!p0 $0x0;
	s16 =	simm.s32 @!p0 $0x2700  }
0x14: {  	[tilespmem:s16], [sflag:$0x2] =	stream.linear.gather @!p0 [hbm4b:s4+s15], $0x100, $0x38;
	[tilespmem:$0x6380] =	vst v63  }
0x15: {  	s15 =	simm.s32 @!p0 $0x2  }
0x16: {  	_ =	swait.ge @!p0 [sflag:s15], $0x100  }
0x17: {  	[sflag:s15] =	ssyncset.done @!p0 $0x0  }
0x18: {  	[sflag:s15] =	ssyncadd.s32 @!p0 $0xFFFFFF00  }
0x19: {  	_ =	swait.ge [sflag:s11], $0x2700  }
0x1a: {  	[sflag:s11] =	ssyncset.done $0x0  }
0x1b: {  	[sflag:s11] =	ssyncadd.s32 $0xFFFFD900  }
0x1c: {  	s30 =	sand.u32 $0x40, s2;
	_ =	swait.ge [sflag:s11], $0x2780  }
0x1d: {  	s17 =	sand.u32 $0x7FFFFF00, s2;
	s22 =	sor.u32 $0x30, s30;
	[sflag:s11] =	ssyncset.done $0x0  }
0x1e: {  	s18 =	sor.u32 s22, s17;
	[sflag:s11] =	ssyncadd.s32 $0xFFFFD880  }
0x1f: {  	[hbm4b:s5+s2] =	stream.linear.scatter [tilespmem:s2], [sflag:$0x1], $0x2700, $0x38;
	[tilespmem:$0x6380] =	vst v63  }
0x20: {  	s20 =	sor.u32 $0x10, s30;
	v0 =	vld [tilespmem:s18+$0x0]  }
0x21: {  	s21 =	sor.u32 $0x20, s30;
	s19 =	sor.u32 s20, s17;
	v1 =	vld [tilespmem:s18+$0x80]  }
0x22: {  	s31 =	sor.u32 s21, s17;
	v2 =	vld [tilespmem:s19+$0x0]  }
0x23: {  	s16 =	sor.u32 s30, s17;
	v8 =	vld [tilespmem:s31+$0x0]  }
0x24: {  	v9 =	vld [tilespmem:s16+$0x0]  }
0x25: {  	s15 =	simm.s32 @!p0 $0x140;
	v7 =	vld [tilespmem:s19+$0x80]  }
0x26: {  	s15 =	simm.s32 @p0 $0x138;
	v6 =	vld [tilespmem:s31+$0x80]  }
0x27: {  	p3 =	sgt.u32 s15, $0x4;
	v5 =	vld [tilespmem:s16+$0x80]  }
.Ltmp0:
0x28: {  	v3 =	vld.idx.msk [tilespmem:v0+s10+$0x0], $0xffff;
	(pc) =	sbr.rel @!p3 .LBB2_2-.Ltmp0, $4  }
0x29: {  	v4 =	vld.idx.msk [tilespmem:v1+s10+$0x0], $0xffff  }
0x2a: {  	v2 =	vld.idx.msk [tilespmem:v2+s10+$0x0], $0xffff  }
0x2b: {  	s23 =	sand.u32 $0x7FFFFF80, s2;
	v1 =	vld.idx.msk [tilespmem:v8+s10+$0x0], $0xffff  }
0x2c: {  	p2 =	por $0x0, $0x0;
	s16 =	simm.s32 $0x80;
	s19 =	simm.s32 $0x40;
	v0 =	vld.idx.msk [tilespmem:v9+s10+$0x0], $0xffff  }
0x2d: {  	_ =	sdelay $0x3  }
0x2e: {  	s24 =	sand.u32 $0x40, s19;
	v8 =	vld.idx.msk [tilespmem:v7+s10+$0x0], $0xffff  }
0x2f: {  	s25 =	sand.u32 $0x7FFFFF00, s16;
	v9 =	vld.idx.msk [tilespmem:v6+s10+$0x0], $0xffff;
	s18 =	sor.u32 $0x30, s24  }
0x30: {  	v10 =	vld.idx.msk [tilespmem:v5+s10+$0x0], $0xffff;
	s16 =	sor.u32 $0x10, s24;
	s17 =	sor.u32 $0x20, s24;
	s24 =	sor.u32 s24, s25  }
0x31: {  	s26 =	sor.u32 s18, s25;
	v15 =	vld [tilespmem:s24+$0x0]  }
0x32: {  	v11 =	vld [tilespmem:s26+$0x0]  }
0x33: {  	s28 =	sor.u32 s16, s25;
	v12 =	vld [tilespmem:s26+$0x80]  }
0x34: {  	s31 =	sor.u32 s17, s25;
	v13 =	vld [tilespmem:s28+$0x0]  }
0x35: {  	v14 =	vld [tilespmem:s31+$0x0]  }
0x36: {  	v7 =	vld [tilespmem:s28+$0x80]  }
0x37: {  	v6 =	vld [tilespmem:s31+$0x80];
	v0 =	vshll.u32 v0, $0x2  }
0x38: {  	p3 =	sgt.u32 s15, $0x8;
	v5 =	vld [tilespmem:s24+$0x80];
	v0 =	vadd.s32 v10, v0  }
.Ltmp1:
0x39: {  	s23 =	sadd.s32 $0x4F80, s23;
	v3 =	vshll.u32 v3, $0x2;
	[tilespmem:s12+$0x0] =	vst v0;
	v0 =	vld.idx.msk [tilespmem:v15+s10+$0x0], $0xffff;
	(pc) =	sbr.rel @!p3 .LBB2_4-.Ltmp1, $4  }
0x3a: {  	v4 =	vadd.s32 v4, v3;
	s22 =	sor.u32 s22, s23;
	v2 =	vshll.u32 v2, $0x2;
	v3 =	vld.idx.msk [tilespmem:v11+s10+$0x0], $0xffff  }
0x3b: {  	p2 =	por $0x1, $0x1;
	s20 =	sor.u32 s20, s23;
	[tilespmem:s22+$0x0] =	vst v4;
	v1 =	vshll.u32 v1, $0x2;
	v2 =	vadd.s32 v8, v2;
	v4 =	vld.idx.msk [tilespmem:v12+s10+$0x0], $0xffff  }
0x3c: {  	s21 =	sor.u32 s21, s23;
	s23 =	sand.u32 $0x7FFFFF80, s19;
	s19 =	simm.s32 $0x4F80;
	v1 =	vadd.s32 v9, v1;
	[tilespmem:s20+$0x0] =	vst v2;
	v2 =	vld.idx.msk [tilespmem:v13+s10+$0x0], $0xffff  }
0x3d: {  	s22 =	simm.s32 $0x80;
	s20 =	simm.s32 $0x8;
	[tilespmem:s21+$0x0] =	vst v1;
	s21 =	simm.s32 $0x100;
	v1 =	vld.idx.msk [tilespmem:v14+s10+$0x0], $0xffff  }
.LBB2_5:
0x3e: {  	s24 =	sand.u32 $0x40, s22;
	s25 =	sand.u32 $0x7FFFFF00, s21;
	s20 =	sadd.s32 $0x4, s20;
	v7 =	vld.idx.msk [tilespmem:v7+s10+$0x0], $0xffff  }
0x3f: {  	s23 =	sadd.s32 $0x4F80, s23;
	v3 =	vshll.u32 v3, $0x2;
	s26 =	sor.u32 $0x30, s24;
	p3 =	slt.u32 s20, s15;
	v6 =	vld.idx.msk [tilespmem:v6+s10+$0x0], $0xffff  }
0x40: {  	s28 =	sor.u32 $0x10, s24;
	v3 =	vadd.s32 v4, v3;
	s18 =	sor.u32 s18, s23;
	s29 =	sor.u32 s26, s25;
	v5 =	vld.idx.msk [tilespmem:v5+s10+$0x0], $0xffff  }
0x41: {  	s30 =	sor.u32 s24, s25;
	s24 =	sor.u32 $0x20, s24;
	s31 =	sor.u32 s28, s25;
	v2 =	vshll.u32 v2, $0x2;
	v4 =	vld [tilespmem:s29+$0x0];
	[tilespmem:s18+$0x0] =	vst v3  }
0x42: {  	s25 =	sor.u32 s24, s25;
	v1 =	vshll.u32 v1, $0x2;
	v8 =	vld [tilespmem:s29+$0x80];
	s29 =	sor.u32 s16, s23;
	s23 =	sor.u32 s17, s23  }
0x43: {  	s18 =	smov.u32 s26;
	v0 =	vshll.u32 v0, $0x2;
	s16 =	smov.u32 s28;
	s17 =	smov.u32 s24;
	v9 =	vld [tilespmem:s31+$0x0]  }
0x44: {  	v2 =	vadd.s32 v7, v2;
	v10 =	vld [tilespmem:s25+$0x0]  }
0x45: {  	v1 =	vadd.s32 v6, v1;
	v11 =	vld [tilespmem:s30+$0x0];
	[tilespmem:s29+$0x0] =	vst v2  }
0x46: {  	s19 =	sadd.s32 $0x40, s19;
	v0 =	vadd.s32 v5, v0;
	v7 =	vld [tilespmem:s31+$0x80];
	[tilespmem:s23+$0x0] =	vst v1  }
0x47: {  	v6 =	vld [tilespmem:s25+$0x80];
	[tilespmem:s19+$0x0] =	vst v0  }
0x48: {  	v5 =	vld [tilespmem:s30+$0x80]  }
.Ltmp2:
0x49: {  	v3 =	vld.idx.msk [tilespmem:v4+s10+$0x0], $0xffff;
	(pc) =	sbr.rel @p3 .LBB2_5-.Ltmp2, $4  }
0x4a: {  	v4 =	vld.idx.msk [tilespmem:v8+s10+$0x0], $0xffff  }
0x4b: {  	v2 =	vld.idx.msk [tilespmem:v9+s10+$0x0], $0xffff  }
0x4c: {  	v1 =	vld.idx.msk [tilespmem:v10+s10+$0x0], $0xffff  }
0x4d: {  	s21 =	sadd.s32 $0x80, s21;
	s23 =	sand.u32 $0x7FFFFF80, s22;
	s22 =	sadd.s32 $0x40, s22;
	v0 =	vld.idx.msk [tilespmem:v11+s10+$0x0], $0xffff  }
0x4e: {  	s22 =	smov.u32 s18;
	s20 =	smov.u32 s16;
	s21 =	smov.u32 s17  }
.LBB2_7:
0x4f: {  	_ =	sdelay $0x3  }
0x50: {  	v7 =	vld.idx.msk [tilespmem:v7+s10+$0x0], $0xffff  }
0x51: {  	v6 =	vld.idx.msk [tilespmem:v6+s10+$0x0], $0xffff  }
0x52: {  	v5 =	vld.idx.msk [tilespmem:v5+s10+$0x0], $0xffff  }
0x53: {  	s15 =	sadd.s32 $0x4F80, s23;
	v3 =	vshll.u32 v3, $0x2  }
0x54: {  	v3 =	vadd.s32 v4, v3;
	s16 =	sor.u32 s22, s15;
	v2 =	vshll.u32 v2, $0x2  }
0x55: {  	s31 =	sor.u32 s20, s15;
	[tilespmem:s16+$0x0] =	vst v3;
	v1 =	vshll.u32 v1, $0x2;
	v2 =	vadd.s32 v7, v2  }
0x56: {  	s17 =	simm.s32 $0x4F80;
	s15 =	sor.u32 s21, s15;
	s16 =	sadd.s32 @p2 $0x40, s19;
	v0 =	vshll.u32 v0, $0x2;
	v1 =	vadd.s32 v6, v1;
	[tilespmem:s31+$0x0] =	vst v2  }
0x57: {  	s17 =	smov.u32 @p2 s16;
	v0 =	vadd.s32 v5, v0;
	[tilespmem:s15+$0x0] =	vst v1  }
0x58: {  	[tilespmem:s17+$0x0] =	vst v0  }
0x59: {  	[hbm4b:s6+s2] =	stream.linear.scatter [tilespmem:s12], [sflag:$0x2], $0x1380, $0x38;
	[tilespmem:$0x6380] =	vst v63  }
0x5a: {  	_ =	swait.ge [sflag:s13], $0x1380  }
0x5b: {  	[sflag:s13] =	ssyncset.done $0x0  }
0x5c: {  	s16 =	simm.s32 @p1 $0x6300;
	s15 =	simm.s32 @p1 $0x0;
	[sflag:s13] =	ssyncadd.s32 $0xFFFFEC80  }
0x5d: {  	[hbm4b:s7+s15] =	stream.linear.scatter @p1 [tilespmem:s16], [sflag:$0x2], $0x80, $0x38;
	[tilespmem:$0x6380] =	vst v63  }
0x5e: {  	s16 =	simm.s32 @p1 $0x2  }
0x5f: {  	_ =	swait.ge @p1 [sflag:s16], $0x80  }
0x60: {  	[sflag:s16] =	ssyncset.done @p1 $0x0  }
0x61: {  	s14 =	sadd.s32 $0x1, s14;
	s17 =	simm.s32 @p1 $0x2700;
	[sflag:s16] =	ssyncadd.s32 @p1 $0xFFFFFF80  }
0x62: {  	[hbm4b:s8+s15] =	stream.linear.scatter @p1 [tilespmem:s17], [sflag:$0x2], $0x100, $0x38;
	[tilespmem:$0x6380] =	vst v63  }
0x63: {  	p2 =	sne.s32 s14, s9;
	_ =	swait.ge @p1 [sflag:s16], $0x100  }
.Ltmp3:
0x64: {  	[sflag:s16] =	ssyncset.done @p1 $0x0;
	(pc) =	sbr.rel @p2 .LBB2_1-.Ltmp3, $4  }
.Ltmp4:
0x65: {  	[sflag:s16] =	ssyncadd.s32 @p1 $0xFFFFFF00;
	(pc) =	sbr.rel @!p2 .LBB2_8-.Ltmp4, $4  }
0x66: {  	_ =	swait.ge [sflag:s11], $0x2700  }
0x67: {  	[sflag:s11] =	ssyncset.done $0x0  }
0x68: {  	[sflag:s11] =	ssyncadd.s32 $0xFFFFD900  }
0x69: {  	_ = 	snop  }
.LBB2_2:
.Ltmp5:
0x6a: {  	(pc) =	sbr.rel .LBB2_7-.Ltmp5, $2  }
0x6b: {  	_ =	sdelay $0x2  }
0x6c: {  	s19 =	simm.s32 $0x4F80  }
.LBB2_4:
.Ltmp6:
0x6d: {  	(pc) =	sbr.rel .LBB2_7-.Ltmp6, $3  }
0x6e: {  	_ =	sdelay $0x1  }
0x6f: {  	s22 =	smov.u32 s18  }
0x70: {  	s20 =	smov.u32 s16;
	s21 =	smov.u32 s17;
	s19 =	simm.s32 $0x4F80  }
.LBB2_8:
0x71: {  	_ =	sfence.sel $0x180000  }
0x72: {  	[bflag:$0x0] =	sbarrier.arrive $0xFFFF  }
0x73: {  	_ =	strace $0x90000047  }
0x74: {  	s0 =	sadd.s32 @!p0 $0x100000, s0;
	[bflag:$0x2] =	sbarrier.arrive $0xFFFF  }
0x75: {  	[sflag:s0] =	ssyncadd.tile.s32 @!p0 $0x1;
	_ =	shalt  }
.Lfunc_end2:
_tile_overlayer_lowered:
.L_overlay_start_2:
0x76: {  	(tag) =	ssettag $0x2  }
0x77: {  	s0 =	rddreg [dreg:$0x0];
	s2 =	stileid.u32  }
0x78: {  	s1 =	rddreg [dreg:$0x1];
	p0 =	sne.s32 s2, $0x0  }
0x79: {  	s3 =	rddreg [dreg:$0x2];
	[bflag:$0x3] =	sbarrier.arrive $0xFFFF;
	s2 =	simm.s32 @!p0 $0x1C02  }
0x7a: {  	[timem:s3], [sflag:s2] =	dma.local @!p0 [hbm:s0], s1  }
0x7b: {  	s0 =	simm.s32 @!p0 $0x2  }
0x7c: {  	_ =	swait.ge @!p0 [sflag:s0], s1  }
0x7d: {  	s1 =	ssub.s32 @!p0 $0x0, s1;
	[sflag:s0] =	ssyncset.done @!p0 $0x0  }
0x7e: {  	[sflag:s0] =	ssyncadd.s32 @!p0 s1  }
0x7f: {  	[bflag:$0x3] =	sbarrier.arrive $0xFFFF  }
0x80: {  	_ =	shalt  }

</sc_bundles>
